<compile_context>
chip_gen: v7x
topology: tpu7x:2x2x1
jax: 0.10.2.dev20260603
libtpu: 0.0.44.dev20260713+nightly
codegen_flags: <defaults>
</compile_context>

<pallas_src>
import numpy as np

import jax
import jax.numpy as jnp
from jax import lax
from jax.experimental import pallas as pl
from jax.experimental.pallas import tpu as pltpu
from jax.experimental.pallas import tpu_sc as plsc

B = 64
T = 577
D = 768
N = T - 1
NUM_REMAIN = N // 4
OUT_T = NUM_REMAIN + 1
TOTAL_ROWS = B * OUT_T

NC, NS = 2, 16
NW = NC * NS
CHUNK = 24
NCHUNK = 12
NBUF = 6
TAIL = 8
NTAILW = (TOTAL_ROWS - NW * CHUNK * NCHUNK) // TAIL


def _rotl32(x, r):
    return (x << np.uint32(r)) | (x >> np.uint32(32 - r))


def _threefry2x32(k0, k1, x0, x1):
    rotations = ((13, 15, 26, 6), (17, 29, 16, 24))
    ks = (np.uint32(k0), np.uint32(k1),
          np.uint32(k0) ^ np.uint32(k1) ^ np.uint32(0x1BD11BDA))
    x0 = x0 + ks[0]
    x1 = x1 + ks[1]
    with np.errstate(over="ignore"):
        for i in range(5):
            for r in rotations[i % 2]:
                x0 = x0 + x1
                x1 = _rotl32(x1, r)
                x1 = x1 ^ x0
            x0 = x0 + ks[(i + 1) % 3]
            x1 = x1 + ks[(i + 2) % 3] + np.uint32(i + 1)
    return x0, x1


def _fixed_uniform_noise(seed, shape):
    size = int(np.prod(shape))
    o0, o1 = _threefry2x32(0, seed, np.zeros(size, np.uint32),
                           np.arange(size, dtype=np.uint32))
    bits = o0 ^ o1
    floats = (bits >> np.uint32(9)) | np.uint32(0x3F800000)
    return (floats.view(np.float32) - np.float32(1.0)).reshape(shape)


def _index_constants():
    noise = _fixed_uniform_noise(42, (B, N))
    shuffle = np.argsort(noise, axis=-1, kind="stable").astype(np.int32)
    revert = np.argsort(shuffle, axis=-1, kind="stable").astype(np.int32)
    remain = shuffle[:, :NUM_REMAIN]
    masked = shuffle[:, NUM_REMAIN:]

    bb = np.arange(B)[None, :]
    src_t = np.zeros((OUT_T, B), np.int32)
    src_t[1:] = 1 + remain.T
    gidx = (src_t * B + bb).reshape(TOTAL_ROWS).astype(np.int32)

    idx = np.zeros((NW, NCHUNK + 1, CHUNK), np.int32)
    for w in range(NW):
        b0 = CHUNK * NCHUNK * w + TAIL * min(w, NTAILW)
        idx[w, :NCHUNK] = gidx[b0:b0 + NCHUNK * CHUNK].reshape(NCHUNK, CHUNK)
        if w < NTAILW:
            idx[w, NCHUNK, :TAIL] = gidx[b0 + NCHUNK * CHUNK:
                                         b0 + NCHUNK * CHUNK + TAIL]
    return remain, masked, revert, idx


_REMAIN, _MASKED, _REVERT, _IDX = _index_constants()


def _gather_kernel(table_hbm, idx_hbm, out_hbm, idx_v,
                   buf0, buf1, buf2, buf3, buf4, buf5, tbuf,
                   gsem0, gsem1, gsem2, gsem3, gsem4, gsem5, semt,
                   wsem0, wsem1, wsem2, wsem3, wsem4, wsem5):
    wid = lax.axis_index("s") * NC + lax.axis_index("c")
    base = CHUNK * NCHUNK * wid + TAIL * jnp.minimum(wid, NTAILW)
    pltpu.sync_copy(idx_hbm.at[wid], idx_v)

    bufs = (buf0, buf1, buf2, buf3, buf4, buf5)
    gsems = (gsem0, gsem1, gsem2, gsem3, gsem4, gsem5)
    wsems = (wsem0, wsem1, wsem2, wsem3, wsem4, wsem5)
    has_tail = wid < NTAILW

    def gather(c, s):
        return pltpu.make_async_copy(table_hbm.at[idx_v.at[c]], bufs[s],
                                     gsems[s])

    def write(c, s):
        return pltpu.make_async_copy(
            bufs[s], out_hbm.at[pl.ds(base + c * CHUNK, CHUNK)], wsems[s])

    def tail_gather():
        return pltpu.make_async_copy(
            table_hbm.at[idx_v.at[NCHUNK, pl.ds(0, TAIL)]], tbuf, semt)

    for k in range(NBUF):
        gather(k, k).start()
    for c in range(NCHUNK):
        s = c % NBUF
        gather(c, s).wait()
        write(c, s).start()
        n = c + NBUF
        if n < NCHUNK:
            write(n - NBUF, s).wait()
            gather(n, s).start()
        elif n == NCHUNK:
            @pl.when(has_tail)
            def _():
                tail_gather().start()

    @pl.when(has_tail)
    def _():
        tail_gather().wait()
        pltpu.sync_copy(tbuf, out_hbm.at[pl.ds(base + NCHUNK * CHUNK, TAIL)])

    for c in range(max(0, NCHUNK - NBUF), NCHUNK):
        write(c, c % NBUF).wait()


@jax.jit
def _run(data):
    table = data.transpose(1, 0, 2).reshape(T * B, D)

    small = (jnp.asarray(_REMAIN), jnp.asarray(_MASKED), jnp.asarray(_REVERT),
             jnp.ones((B, OUT_T), dtype=jnp.float32),
             jnp.ones((B, T), dtype=jnp.float32))
    table, small = lax.optimization_barrier((table, small))
    remain_idx, masked_idx, revert_idx, remain_padding_mask, \
        revert_padding_mask = small

    mesh = plsc.VectorSubcoreMesh(core_axis_name="c", subcore_axis_name="s")
    flat_out = pl.kernel(
        _gather_kernel,
        mesh=mesh,
        out_type=jax.ShapeDtypeStruct((TOTAL_ROWS, D), jnp.float32),
        scratch_types=[
            pltpu.VMEM((NCHUNK + 1, CHUNK), jnp.int32),
            pltpu.VMEM((CHUNK, D), jnp.float32),
            pltpu.VMEM((CHUNK, D), jnp.float32),
            pltpu.VMEM((CHUNK, D), jnp.float32),
            pltpu.VMEM((CHUNK, D), jnp.float32),
            pltpu.VMEM((CHUNK, D), jnp.float32),
            pltpu.VMEM((CHUNK, D), jnp.float32),
            pltpu.VMEM((TAIL, D), jnp.float32),
        ] + [pltpu.SemaphoreType.DMA] * 13,
    )(table, jnp.asarray(_IDX))

    img_remain = flat_out.reshape(OUT_T, B, D).transpose(1, 0, 2)
    return (img_remain, remain_idx, masked_idx, revert_idx,
            remain_padding_mask, revert_padding_mask)


def kernel(data):
    return _run(data)

# --- scband reference (transcript-rebuilt; emitter-appended) ---
"""Pipeline reference for scband-img-remain-4715874091556 (READ-ONLY COPY).

The authoritative reference and input builder live on the scoring server;
editing this copy changes nothing except your own understanding.
"""

import jax, jax.numpy as jnp
import numpy as np


def setup_inputs(seed: int = 0) -> dict:
    key = jax.random.key(seed)
    data = jax.random.normal(jax.random.fold_in(key, 1), (64, 577, 768), dtype=jnp.float32)
    return {"data": data}


def reference(data):
    # Non-tensor forward args fixed: col='img', idx_dict={}, padding_mask_dict={}, remain_rto=0.25
    remain_rto = 0.25
    B, T, D = data.shape
    global_token = data[:, :1, :]
    valid_data = data[:, 1:, :]
    N = T - 1
    num_remain = int(N * remain_rto)
    # torch.rand -> uniform noise; fixed key for determinism
    noise = jax.random.uniform(jax.random.key(42), (B, N), dtype=jnp.float32)
    shuffle_idx = jnp.argsort(noise, axis=-1)
    remain_idx = shuffle_idx[:, :num_remain]
    masked_idx = shuffle_idx[:, num_remain:]
    revert_idx = jnp.argsort(shuffle_idx, axis=-1)
    gather_idx = jnp.broadcast_to(remain_idx[:, :, None], (B, num_remain, D))
    valid_remain = jnp.take_along_axis(valid_data, gather_idx, axis=1)
    img_remain = jnp.concatenate([global_token, valid_remain], axis=1)
    remain_padding_mask = jnp.ones(img_remain.shape[:-1], dtype=jnp.float32)
    revert_padding_mask = jnp.ones(data.shape[:-1], dtype=jnp.float32)
    # idx_dict / padding_mask_dict entries flattened into the returned tuple
    return (img_remain, remain_idx, masked_idx, revert_idx, remain_padding_mask, revert_padding_mask)

if __name__ == "__main__":
    import jax
    _d = setup_inputs()
    print(jax.jit(kernel)(*tuple(_d.values())))

</pallas_src>

<mosaic_0001>
#map = affine_map<(d0, d1) -> (0, 0)>
#map1 = affine_map<(d0, d1) -> (0, 0, 0)>
module attributes {stable_mosaic.version = 14 : i64} {
  func.func @_gather_kernel(%arg0: i32, %arg1: i32, %arg2: memref<36928x768xf32, #tpu.memory_space<hbm>>, %arg3: memref<32x13x24xi32, #tpu.memory_space<hbm>>, %arg4: memref<9280x768xf32, #tpu.memory_space<hbm>>, %arg5: memref<13x24xi32, #tpu.memory_space<vmem>>, %arg6: memref<24x768xf32, #tpu.memory_space<vmem>>, %arg7: memref<24x768xf32, #tpu.memory_space<vmem>>, %arg8: memref<24x768xf32, #tpu.memory_space<vmem>>, %arg9: memref<24x768xf32, #tpu.memory_space<vmem>>, %arg10: memref<24x768xf32, #tpu.memory_space<vmem>>, %arg11: memref<24x768xf32, #tpu.memory_space<vmem>>, %arg12: memref<8x768xf32, #tpu.memory_space<vmem>>, %arg13: memref<!tpu.dma_semaphore, #tpu.memory_space<semaphore_mem>>, %arg14: memref<!tpu.dma_semaphore, #tpu.memory_space<semaphore_mem>>, %arg15: memref<!tpu.dma_semaphore, #tpu.memory_space<semaphore_mem>>, %arg16: memref<!tpu.dma_semaphore, #tpu.memory_space<semaphore_mem>>, %arg17: memref<!tpu.dma_semaphore, #tpu.memory_space<semaphore_mem>>, %arg18: memref<!tpu.dma_semaphore, #tpu.memory_space<semaphore_mem>>, %arg19: memref<!tpu.dma_semaphore, #tpu.memory_space<semaphore_mem>>, %arg20: memref<!tpu.dma_semaphore, #tpu.memory_space<semaphore_mem>>, %arg21: memref<!tpu.dma_semaphore, #tpu.memory_space<semaphore_mem>>, %arg22: memref<!tpu.dma_semaphore, #tpu.memory_space<semaphore_mem>>, %arg23: memref<!tpu.dma_semaphore, #tpu.memory_space<semaphore_mem>>, %arg24: memref<!tpu.dma_semaphore, #tpu.memory_space<semaphore_mem>>, %arg25: memref<!tpu.dma_semaphore, #tpu.memory_space<semaphore_mem>>) attributes {dimension_semantics = [#tpu.dimension_semantics<core_parallel>, #tpu.dimension_semantics<subcore_parallel>], iteration_bounds = array<i64: 2, 16>, scalar_prefetch = 0 : i64, scratch_operands = 21 : i64, tpu.core_type = #tpu.core_type<sc_vector_subcore>, window_params = [{transform_indices = #map}, {transform_indices = #map1}, {transform_indices = #map}]} {
    %mul3A = arith.constant 2 : i32
    %mul3A_0 = arith.muli %arg1, %mul3A : i32
    %add3A = arith.addi %mul3A_0, %arg0 : i32
    %mul3A_1 = arith.constant 288 : i32
    %mul3A_2 = arith.muli %mul3A_1, %add3A : i32
    %min3A = arith.constant 8 : i32
    %min3A_3 = arith.minsi %add3A, %min3A : i32
    %mul3A_4 = arith.constant 8 : i32
    %mul3A_5 = arith.muli %mul3A_4, %min3A_3 : i32
    %add3A_6 = arith.addi %mul3A_2, %mul3A_5 : i32
    "tpu.region"() ({
      %run_scoped3A = tpu.sem_alloc : memref<!tpu.dma_semaphore, #tpu.memory_space<semaphore_mem>>
      %dma_start3A_322 = arith.constant 0 : i32
      %dma_start3A_323 = arith.constant 0 : i32
      %dma_start3A_324 = tpu.memref_slice %arg3[%add3A, %dma_start3A_322, %dma_start3A_323] : memref<32x13x24xi32, #tpu.memory_space<hbm>> -> memref<1x13x24xi32, #tpu.memory_space<hbm>>
      %dma_start3A_325 = tpu.memref_squeeze %dma_start3A_324 : memref<1x13x24xi32, #tpu.memory_space<hbm>> -> memref<13x24xi32, #tpu.memory_space<hbm>>
      %dma_start3A_326 = arith.constant 0 : i32
      %dma_start3A_327 = arith.constant 0 : i32
      %dma_start3A_328 = tpu.memref_slice %arg3[%add3A, %dma_start3A_326, %dma_start3A_327] : memref<32x13x24xi32, #tpu.memory_space<hbm>> -> memref<1x13x24xi32, #tpu.memory_space<hbm>>
      %dma_start3A_329 = tpu.memref_squeeze %dma_start3A_328 : memref<1x13x24xi32, #tpu.memory_space<hbm>> -> memref<13x24xi32, #tpu.memory_space<hbm>>
      tpu.enqueue_dma source(%dma_start3A_329 : memref<13x24xi32, #tpu.memory_space<hbm>>) target(%arg5 : memref<13x24xi32, #tpu.memory_space<vmem>>) target_semaphore(%run_scoped3A : memref<!tpu.dma_semaphore, #tpu.memory_space<semaphore_mem>>)
      %dma_wait3A_330 = arith.constant 0 : i32
      %dma_wait3A_331 = arith.constant 0 : i32
      %dma_wait3A_332 = tpu.memref_slice %arg3[%add3A, %dma_wait3A_330, %dma_wait3A_331] : memref<32x13x24xi32, #tpu.memory_space<hbm>> -> memref<1x13x24xi32, #tpu.memory_space<hbm>>
      %dma_wait3A_333 = tpu.memref_squeeze %dma_wait3A_332 : memref<1x13x24xi32, #tpu.memory_space<hbm>> -> memref<13x24xi32, #tpu.memory_space<hbm>>
      %dma_wait3A_334 = arith.constant 0 : i32
      %dma_wait3A_335 = arith.constant 0 : i32
      %dma_wait3A_336 = tpu.memref_slice %arg3[%add3A, %dma_wait3A_334, %dma_wait3A_335] : memref<32x13x24xi32, #tpu.memory_space<hbm>> -> memref<1x13x24xi32, #tpu.memory_space<hbm>>
      %dma_wait3A_337 = tpu.memref_squeeze %dma_wait3A_336 : memref<1x13x24xi32, #tpu.memory_space<hbm>> -> memref<13x24xi32, #tpu.memory_space<hbm>>
      tpu.wait_dma2 semaphore(%run_scoped3A : memref<!tpu.dma_semaphore, #tpu.memory_space<semaphore_mem>>) src(%dma_wait3A_337 : memref<13x24xi32, #tpu.memory_space<hbm>>) dst(%arg5 : memref<13x24xi32, #tpu.memory_space<vmem>>)
      tpu.yield
    }) : () -> ()
    %lt3A = arith.constant 8 : i32
    %lt3A_7 = arith.cmpi slt, %add3A, %lt3A : i32
    %dma_start3A = arith.constant 0 : i32
    %dma_start3A_8 = arith.constant 0 : i32
    %dma_start3A_9 = tpu.memref_slice %arg5[%dma_start3A, %dma_start3A_8] : memref<13x24xi32, #tpu.memory_space<vmem>> -> memref<1x24xi32, #tpu.memory_space<vmem>>
    %dma_start3A_10 = tpu.memref_squeeze %dma_start3A_9 : memref<1x24xi32, #tpu.memory_space<vmem>> -> memref<24xi32, #tpu.memory_space<vmem>>
    %dma_start3A_11 = arith.constant 0 : i32
    %dma_start3A_12 = arith.constant 0 : i32
    %dma_start3A_13 = tpu.memref_slice %arg2[%dma_start3A_11, %dma_start3A_12] : memref<36928x768xf32, #tpu.memory_space<hbm>> -> memref<36928x768xf32, #tpu.memory_space<hbm>>
    tpu.enqueue_indirect_dma source(%dma_start3A_13 : memref<36928x768xf32, #tpu.memory_space<hbm>>) target(%arg6 : memref<24x768xf32, #tpu.memory_space<vmem>>) offsets(%dma_start3A_10 : memref<24xi32, #tpu.memory_space<vmem>>) semaphore(%arg13 : memref<!tpu.dma_semaphore, #tpu.memory_space<semaphore_mem>>)
    %dma_start3A_14 = arith.constant 1 : i32
    %dma_start3A_15 = arith.constant 0 : i32
    %dma_start3A_16 = tpu.memref_slice %arg5[%dma_start3A_14, %dma_start3A_15] : memref<13x24xi32, #tpu.memory_space<vmem>> -> memref<1x24xi32, #tpu.memory_space<vmem>>
    %dma_start3A_17 = tpu.memref_squeeze %dma_start3A_16 : memref<1x24xi32, #tpu.memory_space<vmem>> -> memref<24xi32, #tpu.memory_space<vmem>>
    %dma_start3A_18 = arith.constant 0 : i32
    %dma_start3A_19 = arith.constant 0 : i32
    %dma_start3A_20 = tpu.memref_slice %arg2[%dma_start3A_18, %dma_start3A_19] : memref<36928x768xf32, #tpu.memory_space<hbm>> -> memref<36928x768xf32, #tpu.memory_space<hbm>>
    tpu.enqueue_indirect_dma source(%dma_start3A_20 : memref<36928x768xf32, #tpu.memory_space<hbm>>) target(%arg7 : memref<24x768xf32, #tpu.memory_space<vmem>>) offsets(%dma_start3A_17 : memref<24xi32, #tpu.memory_space<vmem>>) semaphore(%arg14 : memref<!tpu.dma_semaphore, #tpu.memory_space<semaphore_mem>>)
    %dma_start3A_21 = arith.constant 2 : i32
    %dma_start3A_22 = arith.constant 0 : i32
    %dma_start3A_23 = tpu.memref_slice %arg5[%dma_start3A_21, %dma_start3A_22] : memref<13x24xi32, #tpu.memory_space<vmem>> -> memref<1x24xi32, #tpu.memory_space<vmem>>
    %dma_start3A_24 = tpu.memref_squeeze %dma_start3A_23 : memref<1x24xi32, #tpu.memory_space<vmem>> -> memref<24xi32, #tpu.memory_space<vmem>>
    %dma_start3A_25 = arith.constant 0 : i32
    %dma_start3A_26 = arith.constant 0 : i32
    %dma_start3A_27 = tpu.memref_slice %arg2[%dma_start3A_25, %dma_start3A_26] : memref<36928x768xf32, #tpu.memory_space<hbm>> -> memref<36928x768xf32, #tpu.memory_space<hbm>>
    tpu.enqueue_indirect_dma source(%dma_start3A_27 : memref<36928x768xf32, #tpu.memory_space<hbm>>) target(%arg8 : memref<24x768xf32, #tpu.memory_space<vmem>>) offsets(%dma_start3A_24 : memref<24xi32, #tpu.memory_space<vmem>>) semaphore(%arg15 : memref<!tpu.dma_semaphore, #tpu.memory_space<semaphore_mem>>)
    %dma_start3A_28 = arith.constant 3 : i32
    %dma_start3A_29 = arith.constant 0 : i32
    %dma_start3A_30 = tpu.memref_slice %arg5[%dma_start3A_28, %dma_start3A_29] : memref<13x24xi32, #tpu.memory_space<vmem>> -> memref<1x24xi32, #tpu.memory_space<vmem>>
    %dma_start3A_31 = tpu.memref_squeeze %dma_start3A_30 : memref<1x24xi32, #tpu.memory_space<vmem>> -> memref<24xi32, #tpu.memory_space<vmem>>
    %dma_start3A_32 = arith.constant 0 : i32
    %dma_start3A_33 = arith.constant 0 : i32
    %dma_start3A_34 = tpu.memref_slice %arg2[%dma_start3A_32, %dma_start3A_33] : memref<36928x768xf32, #tpu.memory_space<hbm>> -> memref<36928x768xf32, #tpu.memory_space<hbm>>
    tpu.enqueue_indirect_dma source(%dma_start3A_34 : memref<36928x768xf32, #tpu.memory_space<hbm>>) target(%arg9 : memref<24x768xf32, #tpu.memory_space<vmem>>) offsets(%dma_start3A_31 : memref<24xi32, #tpu.memory_space<vmem>>) semaphore(%arg16 : memref<!tpu.dma_semaphore, #tpu.memory_space<semaphore_mem>>)
    %dma_start3A_35 = arith.constant 4 : i32
    %dma_start3A_36 = arith.constant 0 : i32
    %dma_start3A_37 = tpu.memref_slice %arg5[%dma_start3A_35, %dma_start3A_36] : memref<13x24xi32, #tpu.memory_space<vmem>> -> memref<1x24xi32, #tpu.memory_space<vmem>>
    %dma_start3A_38 = tpu.memref_squeeze %dma_start3A_37 : memref<1x24xi32, #tpu.memory_space<vmem>> -> memref<24xi32, #tpu.memory_space<vmem>>
    %dma_start3A_39 = arith.constant 0 : i32
    %dma_start3A_40 = arith.constant 0 : i32
    %dma_start3A_41 = tpu.memref_slice %arg2[%dma_start3A_39, %dma_start3A_40] : memref<36928x768xf32, #tpu.memory_space<hbm>> -> memref<36928x768xf32, #tpu.memory_space<hbm>>
    tpu.enqueue_indirect_dma source(%dma_start3A_41 : memref<36928x768xf32, #tpu.memory_space<hbm>>) target(%arg10 : memref<24x768xf32, #tpu.memory_space<vmem>>) offsets(%dma_start3A_38 : memref<24xi32, #tpu.memory_space<vmem>>) semaphore(%arg17 : memref<!tpu.dma_semaphore, #tpu.memory_space<semaphore_mem>>)
    %dma_start3A_42 = arith.constant 5 : i32
    %dma_start3A_43 = arith.constant 0 : i32
    %dma_start3A_44 = tpu.memref_slice %arg5[%dma_start3A_42, %dma_start3A_43] : memref<13x24xi32, #tpu.memory_space<vmem>> -> memref<1x24xi32, #tpu.memory_space<vmem>>
    %dma_start3A_45 = tpu.memref_squeeze %dma_start3A_44 : memref<1x24xi32, #tpu.memory_space<vmem>> -> memref<24xi32, #tpu.memory_space<vmem>>
    %dma_start3A_46 = arith.constant 0 : i32
    %dma_start3A_47 = arith.constant 0 : i32
    %dma_start3A_48 = tpu.memref_slice %arg2[%dma_start3A_46, %dma_start3A_47] : memref<36928x768xf32, #tpu.memory_space<hbm>> -> memref<36928x768xf32, #tpu.memory_space<hbm>>
    tpu.enqueue_indirect_dma source(%dma_start3A_48 : memref<36928x768xf32, #tpu.memory_space<hbm>>) target(%arg11 : memref<24x768xf32, #tpu.memory_space<vmem>>) offsets(%dma_start3A_45 : memref<24xi32, #tpu.memory_space<vmem>>) semaphore(%arg18 : memref<!tpu.dma_semaphore, #tpu.memory_space<semaphore_mem>>)
    %dma_wait3A = arith.constant 0 : i32
    %dma_wait3A_49 = arith.constant 0 : i32
    %dma_wait3A_50 = tpu.memref_slice %arg5[%dma_wait3A, %dma_wait3A_49] : memref<13x24xi32, #tpu.memory_space<vmem>> -> memref<1x24xi32, #tpu.memory_space<vmem>>
    %dma_wait3A_51 = tpu.memref_squeeze %dma_wait3A_50 : memref<1x24xi32, #tpu.memory_space<vmem>> -> memref<24xi32, #tpu.memory_space<vmem>>
    %dma_wait3A_52 = arith.constant 0 : i32
    %dma_wait3A_53 = arith.constant 0 : i32
    %dma_wait3A_54 = tpu.memref_slice %arg2[%dma_wait3A_52, %dma_wait3A_53] : memref<36928x768xf32, #tpu.memory_space<hbm>> -> memref<36928x768xf32, #tpu.memory_space<hbm>>
    tpu.wait_indirect_dma semaphore(%arg13 : memref<!tpu.dma_semaphore, #tpu.memory_space<semaphore_mem>>) src(%dma_wait3A_54 : memref<36928x768xf32, #tpu.memory_space<hbm>>) dst(%arg6 : memref<24x768xf32, #tpu.memory_space<vmem>>)
    %add3A_55 = arith.constant 0 : i32
    %add3A_56 = arith.addi %add3A_6, %add3A_55 : i32
    %dma_start3A_57 = arith.constant 0 : i32
    %dma_start3A_58 = tpu.memref_slice %arg4[%add3A_56, %dma_start3A_57] : memref<9280x768xf32, #tpu.memory_space<hbm>> -> memref<24x768xf32, #tpu.memory_space<hbm>>
    %dma_start3A_59 = arith.constant 0 : i32
    %dma_start3A_60 = tpu.memref_slice %arg4[%add3A_56, %dma_start3A_59] : memref<9280x768xf32, #tpu.memory_space<hbm>> -> memref<24x768xf32, #tpu.memory_space<hbm>>
    tpu.enqueue_dma source(%arg6 : memref<24x768xf32, #tpu.memory_space<vmem>>) target(%dma_start3A_60 : memref<24x768xf32, #tpu.memory_space<hbm>>) target_semaphore(%arg20 : memref<!tpu.dma_semaphore, #tpu.memory_space<semaphore_mem>>)
    %add3A_61 = arith.constant 0 : i32
    %add3A_62 = arith.addi %add3A_6, %add3A_61 : i32
    %dma_wait3A_63 = arith.constant 0 : i32
    %dma_wait3A_64 = tpu.memref_slice %arg4[%add3A_62, %dma_wait3A_63] : memref<9280x768xf32, #tpu.memory_space<hbm>> -> memref<24x768xf32, #tpu.memory_space<hbm>>
    %dma_wait3A_65 = arith.constant 0 : i32
    %dma_wait3A_66 = tpu.memref_slice %arg4[%add3A_62, %dma_wait3A_65] : memref<9280x768xf32, #tpu.memory_space<hbm>> -> memref<24x768xf32, #tpu.memory_space<hbm>>
    tpu.wait_dma2 semaphore(%arg20 : memref<!tpu.dma_semaphore, #tpu.memory_space<semaphore_mem>>) src(%arg6 : memref<24x768xf32, #tpu.memory_space<vmem>>) dst(%dma_wait3A_66 : memref<24x768xf32, #tpu.memory_space<hbm>>)
    %dma_start3A_67 = arith.constant 6 : i32
    %dma_start3A_68 = arith.constant 0 : i32
    %dma_start3A_69 = tpu.memref_slice %arg5[%dma_start3A_67, %dma_start3A_68] : memref<13x24xi32, #tpu.memory_space<vmem>> -> memref<1x24xi32, #tpu.memory_space<vmem>>
    %dma_start3A_70 = tpu.memref_squeeze %dma_start3A_69 : memref<1x24xi32, #tpu.memory_space<vmem>> -> memref<24xi32, #tpu.memory_space<vmem>>
    %dma_start3A_71 = arith.constant 0 : i32
    %dma_start3A_72 = arith.constant 0 : i32
    %dma_start3A_73 = tpu.memref_slice %arg2[%dma_start3A_71, %dma_start3A_72] : memref<36928x768xf32, #tpu.memory_space<hbm>> -> memref<36928x768xf32, #tpu.memory_space<hbm>>
    tpu.enqueue_indirect_dma source(%dma_start3A_73 : memref<36928x768xf32, #tpu.memory_space<hbm>>) target(%arg6 : memref<24x768xf32, #tpu.memory_space<vmem>>) offsets(%dma_start3A_70 : memref<24xi32, #tpu.memory_space<vmem>>) semaphore(%arg13 : memref<!tpu.dma_semaphore, #tpu.memory_space<semaphore_mem>>)
    %dma_wait3A_74 = arith.constant 1 : i32
    %dma_wait3A_75 = arith.constant 0 : i32
    %dma_wait3A_76 = tpu.memref_slice %arg5[%dma_wait3A_74, %dma_wait3A_75] : memref<13x24xi32, #tpu.memory_space<vmem>> -> memref<1x24xi32, #tpu.memory_space<vmem>>
    %dma_wait3A_77 = tpu.memref_squeeze %dma_wait3A_76 : memref<1x24xi32, #tpu.memory_space<vmem>> -> memref<24xi32, #tpu.memory_space<vmem>>
    %dma_wait3A_78 = arith.constant 0 : i32
    %dma_wait3A_79 = arith.constant 0 : i32
    %dma_wait3A_80 = tpu.memref_slice %arg2[%dma_wait3A_78, %dma_wait3A_79] : memref<36928x768xf32, #tpu.memory_space<hbm>> -> memref<36928x768xf32, #tpu.memory_space<hbm>>
    tpu.wait_indirect_dma semaphore(%arg14 : memref<!tpu.dma_semaphore, #tpu.memory_space<semaphore_mem>>) src(%dma_wait3A_80 : memref<36928x768xf32, #tpu.memory_space<hbm>>) dst(%arg7 : memref<24x768xf32, #tpu.memory_space<vmem>>)
    %add3A_81 = arith.constant 24 : i32
    %add3A_82 = arith.addi %add3A_6, %add3A_81 : i32
    %dma_start3A_83 = arith.constant 0 : i32
    %dma_start3A_84 = tpu.memref_slice %arg4[%add3A_82, %dma_start3A_83] : memref<9280x768xf32, #tpu.memory_space<hbm>> -> memref<24x768xf32, #tpu.memory_space<hbm>>
    %dma_start3A_85 = arith.constant 0 : i32
    %dma_start3A_86 = tpu.memref_slice %arg4[%add3A_82, %dma_start3A_85] : memref<9280x768xf32, #tpu.memory_space<hbm>> -> memref<24x768xf32, #tpu.memory_space<hbm>>
    tpu.enqueue_dma source(%arg7 : memref<24x768xf32, #tpu.memory_space<vmem>>) target(%dma_start3A_86 : memref<24x768xf32, #tpu.memory_space<hbm>>) target_semaphore(%arg21 : memref<!tpu.dma_semaphore, #tpu.memory_space<semaphore_mem>>)
    %add3A_87 = arith.constant 24 : i32
    %add3A_88 = arith.addi %add3A_6, %add3A_87 : i32
    %dma_wait3A_89 = arith.constant 0 : i32
    %dma_wait3A_90 = tpu.memref_slice %arg4[%add3A_88, %dma_wait3A_89] : memref<9280x768xf32, #tpu.memory_space<hbm>> -> memref<24x768xf32, #tpu.memory_space<hbm>>
    %dma_wait3A_91 = arith.constant 0 : i32
    %dma_wait3A_92 = tpu.memref_slice %arg4[%add3A_88, %dma_wait3A_91] : memref<9280x768xf32, #tpu.memory_space<hbm>> -> memref<24x768xf32, #tpu.memory_space<hbm>>
    tpu.wait_dma2 semaphore(%arg21 : memref<!tpu.dma_semaphore, #tpu.memory_space<semaphore_mem>>) src(%arg7 : memref<24x768xf32, #tpu.memory_space<vmem>>) dst(%dma_wait3A_92 : memref<24x768xf32, #tpu.memory_space<hbm>>)
    %dma_start3A_93 = arith.constant 7 : i32
    %dma_start3A_94 = arith.constant 0 : i32
    %dma_start3A_95 = tpu.memref_slice %arg5[%dma_start3A_93, %dma_start3A_94] : memref<13x24xi32, #tpu.memory_space<vmem>> -> memref<1x24xi32, #tpu.memory_space<vmem>>
    %dma_start3A_96 = tpu.memref_squeeze %dma_start3A_95 : memref<1x24xi32, #tpu.memory_space<vmem>> -> memref<24xi32, #tpu.memory_space<vmem>>
    %dma_start3A_97 = arith.constant 0 : i32
    %dma_start3A_98 = arith.constant 0 : i32
    %dma_start3A_99 = tpu.memref_slice %arg2[%dma_start3A_97, %dma_start3A_98] : memref<36928x768xf32, #tpu.memory_space<hbm>> -> memref<36928x768xf32, #tpu.memory_space<hbm>>
    tpu.enqueue_indirect_dma source(%dma_start3A_99 : memref<36928x768xf32, #tpu.memory_space<hbm>>) target(%arg7 : memref<24x768xf32, #tpu.memory_space<vmem>>) offsets(%dma_start3A_96 : memref<24xi32, #tpu.memory_space<vmem>>) semaphore(%arg14 : memref<!tpu.dma_semaphore, #tpu.memory_space<semaphore_mem>>)
    %dma_wait3A_100 = arith.constant 2 : i32
    %dma_wait3A_101 = arith.constant 0 : i32
    %dma_wait3A_102 = tpu.memref_slice %arg5[%dma_wait3A_100, %dma_wait3A_101] : memref<13x24xi32, #tpu.memory_space<vmem>> -> memref<1x24xi32, #tpu.memory_space<vmem>>
    %dma_wait3A_103 = tpu.memref_squeeze %dma_wait3A_102 : memref<1x24xi32, #tpu.memory_space<vmem>> -> memref<24xi32, #tpu.memory_space<vmem>>
    %dma_wait3A_104 = arith.constant 0 : i32
    %dma_wait3A_105 = arith.constant 0 : i32
    %dma_wait3A_106 = tpu.memref_slice %arg2[%dma_wait3A_104, %dma_wait3A_105] : memref<36928x768xf32, #tpu.memory_space<hbm>> -> memref<36928x768xf32, #tpu.memory_space<hbm>>
    tpu.wait_indirect_dma semaphore(%arg15 : memref<!tpu.dma_semaphore, #tpu.memory_space<semaphore_mem>>) src(%dma_wait3A_106 : memref<36928x768xf32, #tpu.memory_space<hbm>>) dst(%arg8 : memref<24x768xf32, #tpu.memory_space<vmem>>)
    %add3A_107 = arith.constant 48 : i32
    %add3A_108 = arith.addi %add3A_6, %add3A_107 : i32
    %dma_start3A_109 = arith.constant 0 : i32
    %dma_start3A_110 = tpu.memref_slice %arg4[%add3A_108, %dma_start3A_109] : memref<9280x768xf32, #tpu.memory_space<hbm>> -> memref<24x768xf32, #tpu.memory_space<hbm>>
    %dma_start3A_111 = arith.constant 0 : i32
    %dma_start3A_112 = tpu.memref_slice %arg4[%add3A_108, %dma_start3A_111] : memref<9280x768xf32, #tpu.memory_space<hbm>> -> memref<24x768xf32, #tpu.memory_space<hbm>>
    tpu.enqueue_dma source(%arg8 : memref<24x768xf32, #tpu.memory_space<vmem>>) target(%dma_start3A_112 : memref<24x768xf32, #tpu.memory_space<hbm>>) target_semaphore(%arg22 : memref<!tpu.dma_semaphore, #tpu.memory_space<semaphore_mem>>)
    %add3A_113 = arith.constant 48 : i32
    %add3A_114 = arith.addi %add3A_6, %add3A_113 : i32
    %dma_wait3A_115 = arith.constant 0 : i32
    %dma_wait3A_116 = tpu.memref_slice %arg4[%add3A_114, %dma_wait3A_115] : memref<9280x768xf32, #tpu.memory_space<hbm>> -> memref<24x768xf32, #tpu.memory_space<hbm>>
    %dma_wait3A_117 = arith.constant 0 : i32
    %dma_wait3A_118 = tpu.memref_slice %arg4[%add3A_114, %dma_wait3A_117] : memref<9280x768xf32, #tpu.memory_space<hbm>> -> memref<24x768xf32, #tpu.memory_space<hbm>>
    tpu.wait_dma2 semaphore(%arg22 : memref<!tpu.dma_semaphore, #tpu.memory_space<semaphore_mem>>) src(%arg8 : memref<24x768xf32, #tpu.memory_space<vmem>>) dst(%dma_wait3A_118 : memref<24x768xf32, #tpu.memory_space<hbm>>)
    %dma_start3A_119 = arith.constant 8 : i32
    %dma_start3A_120 = arith.constant 0 : i32
    %dma_start3A_121 = tpu.memref_slice %arg5[%dma_start3A_119, %dma_start3A_120] : memref<13x24xi32, #tpu.memory_space<vmem>> -> memref<1x24xi32, #tpu.memory_space<vmem>>
    %dma_start3A_122 = tpu.memref_squeeze %dma_start3A_121 : memref<1x24xi32, #tpu.memory_space<vmem>> -> memref<24xi32, #tpu.memory_space<vmem>>
    %dma_start3A_123 = arith.constant 0 : i32
    %dma_start3A_124 = arith.constant 0 : i32
    %dma_start3A_125 = tpu.memref_slice %arg2[%dma_start3A_123, %dma_start3A_124] : memref<36928x768xf32, #tpu.memory_space<hbm>> -> memref<36928x768xf32, #tpu.memory_space<hbm>>
    tpu.enqueue_indirect_dma source(%dma_start3A_125 : memref<36928x768xf32, #tpu.memory_space<hbm>>) target(%arg8 : memref<24x768xf32, #tpu.memory_space<vmem>>) offsets(%dma_start3A_122 : memref<24xi32, #tpu.memory_space<vmem>>) semaphore(%arg15 : memref<!tpu.dma_semaphore, #tpu.memory_space<semaphore_mem>>)
    %dma_wait3A_126 = arith.constant 3 : i32
    %dma_wait3A_127 = arith.constant 0 : i32
    %dma_wait3A_128 = tpu.memref_slice %arg5[%dma_wait3A_126, %dma_wait3A_127] : memref<13x24xi32, #tpu.memory_space<vmem>> -> memref<1x24xi32, #tpu.memory_space<vmem>>
    %dma_wait3A_129 = tpu.memref_squeeze %dma_wait3A_128 : memref<1x24xi32, #tpu.memory_space<vmem>> -> memref<24xi32, #tpu.memory_space<vmem>>
    %dma_wait3A_130 = arith.constant 0 : i32
    %dma_wait3A_131 = arith.constant 0 : i32
    %dma_wait3A_132 = tpu.memref_slice %arg2[%dma_wait3A_130, %dma_wait3A_131] : memref<36928x768xf32, #tpu.memory_space<hbm>> -> memref<36928x768xf32, #tpu.memory_space<hbm>>
    tpu.wait_indirect_dma semaphore(%arg16 : memref<!tpu.dma_semaphore, #tpu.memory_space<semaphore_mem>>) src(%dma_wait3A_132 : memref<36928x768xf32, #tpu.memory_space<hbm>>) dst(%arg9 : memref<24x768xf32, #tpu.memory_space<vmem>>)
    %add3A_133 = arith.constant 72 : i32
    %add3A_134 = arith.addi %add3A_6, %add3A_133 : i32
    %dma_start3A_135 = arith.constant 0 : i32
    %dma_start3A_136 = tpu.memref_slice %arg4[%add3A_134, %dma_start3A_135] : memref<9280x768xf32, #tpu.memory_space<hbm>> -> memref<24x768xf32, #tpu.memory_space<hbm>>
    %dma_start3A_137 = arith.constant 0 : i32
    %dma_start3A_138 = tpu.memref_slice %arg4[%add3A_134, %dma_start3A_137] : memref<9280x768xf32, #tpu.memory_space<hbm>> -> memref<24x768xf32, #tpu.memory_space<hbm>>
    tpu.enqueue_dma source(%arg9 : memref<24x768xf32, #tpu.memory_space<vmem>>) target(%dma_start3A_138 : memref<24x768xf32, #tpu.memory_space<hbm>>) target_semaphore(%arg23 : memref<!tpu.dma_semaphore, #tpu.memory_space<semaphore_mem>>)
    %add3A_139 = arith.constant 72 : i32
    %add3A_140 = arith.addi %add3A_6, %add3A_139 : i32
    %dma_wait3A_141 = arith.constant 0 : i32
    %dma_wait3A_142 = tpu.memref_slice %arg4[%add3A_140, %dma_wait3A_141] : memref<9280x768xf32, #tpu.memory_space<hbm>> -> memref<24x768xf32, #tpu.memory_space<hbm>>
    %dma_wait3A_143 = arith.constant 0 : i32
    %dma_wait3A_144 = tpu.memref_slice %arg4[%add3A_140, %dma_wait3A_143] : memref<9280x768xf32, #tpu.memory_space<hbm>> -> memref<24x768xf32, #tpu.memory_space<hbm>>
    tpu.wait_dma2 semaphore(%arg23 : memref<!tpu.dma_semaphore, #tpu.memory_space<semaphore_mem>>) src(%arg9 : memref<24x768xf32, #tpu.memory_space<vmem>>) dst(%dma_wait3A_144 : memref<24x768xf32, #tpu.memory_space<hbm>>)
    %dma_start3A_145 = arith.constant 9 : i32
    %dma_start3A_146 = arith.constant 0 : i32
    %dma_start3A_147 = tpu.memref_slice %arg5[%dma_start3A_145, %dma_start3A_146] : memref<13x24xi32, #tpu.memory_space<vmem>> -> memref<1x24xi32, #tpu.memory_space<vmem>>
    %dma_start3A_148 = tpu.memref_squeeze %dma_start3A_147 : memref<1x24xi32, #tpu.memory_space<vmem>> -> memref<24xi32, #tpu.memory_space<vmem>>
    %dma_start3A_149 = arith.constant 0 : i32
    %dma_start3A_150 = arith.constant 0 : i32
    %dma_start3A_151 = tpu.memref_slice %arg2[%dma_start3A_149, %dma_start3A_150] : memref<36928x768xf32, #tpu.memory_space<hbm>> -> memref<36928x768xf32, #tpu.memory_space<hbm>>
    tpu.enqueue_indirect_dma source(%dma_start3A_151 : memref<36928x768xf32, #tpu.memory_space<hbm>>) target(%arg9 : memref<24x768xf32, #tpu.memory_space<vmem>>) offsets(%dma_start3A_148 : memref<24xi32, #tpu.memory_space<vmem>>) semaphore(%arg16 : memref<!tpu.dma_semaphore, #tpu.memory_space<semaphore_mem>>)
    %dma_wait3A_152 = arith.constant 4 : i32
    %dma_wait3A_153 = arith.constant 0 : i32
    %dma_wait3A_154 = tpu.memref_slice %arg5[%dma_wait3A_152, %dma_wait3A_153] : memref<13x24xi32, #tpu.memory_space<vmem>> -> memref<1x24xi32, #tpu.memory_space<vmem>>
    %dma_wait3A_155 = tpu.memref_squeeze %dma_wait3A_154 : memref<1x24xi32, #tpu.memory_space<vmem>> -> memref<24xi32, #tpu.memory_space<vmem>>
    %dma_wait3A_156 = arith.constant 0 : i32
    %dma_wait3A_157 = arith.constant 0 : i32
    %dma_wait3A_158 = tpu.memref_slice %arg2[%dma_wait3A_156, %dma_wait3A_157] : memref<36928x768xf32, #tpu.memory_space<hbm>> -> memref<36928x768xf32, #tpu.memory_space<hbm>>
    tpu.wait_indirect_dma semaphore(%arg17 : memref<!tpu.dma_semaphore, #tpu.memory_space<semaphore_mem>>) src(%dma_wait3A_158 : memref<36928x768xf32, #tpu.memory_space<hbm>>) dst(%arg10 : memref<24x768xf32, #tpu.memory_space<vmem>>)
    %add3A_159 = arith.constant 96 : i32
    %add3A_160 = arith.addi %add3A_6, %add3A_159 : i32
    %dma_start3A_161 = arith.constant 0 : i32
    %dma_start3A_162 = tpu.memref_slice %arg4[%add3A_160, %dma_start3A_161] : memref<9280x768xf32, #tpu.memory_space<hbm>> -> memref<24x768xf32, #tpu.memory_space<hbm>>
    %dma_start3A_163 = arith.constant 0 : i32
    %dma_start3A_164 = tpu.memref_slice %arg4[%add3A_160, %dma_start3A_163] : memref<9280x768xf32, #tpu.memory_space<hbm>> -> memref<24x768xf32, #tpu.memory_space<hbm>>
    tpu.enqueue_dma source(%arg10 : memref<24x768xf32, #tpu.memory_space<vmem>>) target(%dma_start3A_164 : memref<24x768xf32, #tpu.memory_space<hbm>>) target_semaphore(%arg24 : memref<!tpu.dma_semaphore, #tpu.memory_space<semaphore_mem>>)
    %add3A_165 = arith.constant 96 : i32
    %add3A_166 = arith.addi %add3A_6, %add3A_165 : i32
    %dma_wait3A_167 = arith.constant 0 : i32
    %dma_wait3A_168 = tpu.memref_slice %arg4[%add3A_166, %dma_wait3A_167] : memref<9280x768xf32, #tpu.memory_space<hbm>> -> memref<24x768xf32, #tpu.memory_space<hbm>>
    %dma_wait3A_169 = arith.constant 0 : i32
    %dma_wait3A_170 = tpu.memref_slice %arg4[%add3A_166, %dma_wait3A_169] : memref<9280x768xf32, #tpu.memory_space<hbm>> -> memref<24x768xf32, #tpu.memory_space<hbm>>
    tpu.wait_dma2 semaphore(%arg24 : memref<!tpu.dma_semaphore, #tpu.memory_space<semaphore_mem>>) src(%arg10 : memref<24x768xf32, #tpu.memory_space<vmem>>) dst(%dma_wait3A_170 : memref<24x768xf32, #tpu.memory_space<hbm>>)
    %dma_start3A_171 = arith.constant 10 : i32
    %dma_start3A_172 = arith.constant 0 : i32
    %dma_start3A_173 = tpu.memref_slice %arg5[%dma_start3A_171, %dma_start3A_172] : memref<13x24xi32, #tpu.memory_space<vmem>> -> memref<1x24xi32, #tpu.memory_space<vmem>>
    %dma_start3A_174 = tpu.memref_squeeze %dma_start3A_173 : memref<1x24xi32, #tpu.memory_space<vmem>> -> memref<24xi32, #tpu.memory_space<vmem>>
    %dma_start3A_175 = arith.constant 0 : i32
    %dma_start3A_176 = arith.constant 0 : i32
    %dma_start3A_177 = tpu.memref_slice %arg2[%dma_start3A_175, %dma_start3A_176] : memref<36928x768xf32, #tpu.memory_space<hbm>> -> memref<36928x768xf32, #tpu.memory_space<hbm>>
    tpu.enqueue_indirect_dma source(%dma_start3A_177 : memref<36928x768xf32, #tpu.memory_space<hbm>>) target(%arg10 : memref<24x768xf32, #tpu.memory_space<vmem>>) offsets(%dma_start3A_174 : memref<24xi32, #tpu.memory_space<vmem>>) semaphore(%arg17 : memref<!tpu.dma_semaphore, #tpu.memory_space<semaphore_mem>>)
    %dma_wait3A_178 = arith.constant 5 : i32
    %dma_wait3A_179 = arith.constant 0 : i32
    %dma_wait3A_180 = tpu.memref_slice %arg5[%dma_wait3A_178, %dma_wait3A_179] : memref<13x24xi32, #tpu.memory_space<vmem>> -> memref<1x24xi32, #tpu.memory_space<vmem>>
    %dma_wait3A_181 = tpu.memref_squeeze %dma_wait3A_180 : memref<1x24xi32, #tpu.memory_space<vmem>> -> memref<24xi32, #tpu.memory_space<vmem>>
    %dma_wait3A_182 = arith.constant 0 : i32
    %dma_wait3A_183 = arith.constant 0 : i32
    %dma_wait3A_184 = tpu.memref_slice %arg2[%dma_wait3A_182, %dma_wait3A_183] : memref<36928x768xf32, #tpu.memory_space<hbm>> -> memref<36928x768xf32, #tpu.memory_space<hbm>>
    tpu.wait_indirect_dma semaphore(%arg18 : memref<!tpu.dma_semaphore, #tpu.memory_space<semaphore_mem>>) src(%dma_wait3A_184 : memref<36928x768xf32, #tpu.memory_space<hbm>>) dst(%arg11 : memref<24x768xf32, #tpu.memory_space<vmem>>)
    %add3A_185 = arith.constant 120 : i32
    %add3A_186 = arith.addi %add3A_6, %add3A_185 : i32
    %dma_start3A_187 = arith.constant 0 : i32
    %dma_start3A_188 = tpu.memref_slice %arg4[%add3A_186, %dma_start3A_187] : memref<9280x768xf32, #tpu.memory_space<hbm>> -> memref<24x768xf32, #tpu.memory_space<hbm>>
    %dma_start3A_189 = arith.constant 0 : i32
    %dma_start3A_190 = tpu.memref_slice %arg4[%add3A_186, %dma_start3A_189] : memref<9280x768xf32, #tpu.memory_space<hbm>> -> memref<24x768xf32, #tpu.memory_space<hbm>>
    tpu.enqueue_dma source(%arg11 : memref<24x768xf32, #tpu.memory_space<vmem>>) target(%dma_start3A_190 : memref<24x768xf32, #tpu.memory_space<hbm>>) target_semaphore(%arg25 : memref<!tpu.dma_semaphore, #tpu.memory_space<semaphore_mem>>)
    %add3A_191 = arith.constant 120 : i32
    %add3A_192 = arith.addi %add3A_6, %add3A_191 : i32
    %dma_wait3A_193 = arith.constant 0 : i32
    %dma_wait3A_194 = tpu.memref_slice %arg4[%add3A_192, %dma_wait3A_193] : memref<9280x768xf32, #tpu.memory_space<hbm>> -> memref<24x768xf32, #tpu.memory_space<hbm>>
    %dma_wait3A_195 = arith.constant 0 : i32
    %dma_wait3A_196 = tpu.memref_slice %arg4[%add3A_192, %dma_wait3A_195] : memref<9280x768xf32, #tpu.memory_space<hbm>> -> memref<24x768xf32, #tpu.memory_space<hbm>>
    tpu.wait_dma2 semaphore(%arg25 : memref<!tpu.dma_semaphore, #tpu.memory_space<semaphore_mem>>) src(%arg11 : memref<24x768xf32, #tpu.memory_space<vmem>>) dst(%dma_wait3A_196 : memref<24x768xf32, #tpu.memory_space<hbm>>)
    %dma_start3A_197 = arith.constant 11 : i32
    %dma_start3A_198 = arith.constant 0 : i32
    %dma_start3A_199 = tpu.memref_slice %arg5[%dma_start3A_197, %dma_start3A_198] : memref<13x24xi32, #tpu.memory_space<vmem>> -> memref<1x24xi32, #tpu.memory_space<vmem>>
    %dma_start3A_200 = tpu.memref_squeeze %dma_start3A_199 : memref<1x24xi32, #tpu.memory_space<vmem>> -> memref<24xi32, #tpu.memory_space<vmem>>
    %dma_start3A_201 = arith.constant 0 : i32
    %dma_start3A_202 = arith.constant 0 : i32
    %dma_start3A_203 = tpu.memref_slice %arg2[%dma_start3A_201, %dma_start3A_202] : memref<36928x768xf32, #tpu.memory_space<hbm>> -> memref<36928x768xf32, #tpu.memory_space<hbm>>
    tpu.enqueue_indirect_dma source(%dma_start3A_203 : memref<36928x768xf32, #tpu.memory_space<hbm>>) target(%arg11 : memref<24x768xf32, #tpu.memory_space<vmem>>) offsets(%dma_start3A_200 : memref<24xi32, #tpu.memory_space<vmem>>) semaphore(%arg18 : memref<!tpu.dma_semaphore, #tpu.memory_space<semaphore_mem>>)
    %dma_wait3A_204 = arith.constant 6 : i32
    %dma_wait3A_205 = arith.constant 0 : i32
    %dma_wait3A_206 = tpu.memref_slice %arg5[%dma_wait3A_204, %dma_wait3A_205] : memref<13x24xi32, #tpu.memory_space<vmem>> -> memref<1x24xi32, #tpu.memory_space<vmem>>
    %dma_wait3A_207 = tpu.memref_squeeze %dma_wait3A_206 : memref<1x24xi32, #tpu.memory_space<vmem>> -> memref<24xi32, #tpu.memory_space<vmem>>
    %dma_wait3A_208 = arith.constant 0 : i32
    %dma_wait3A_209 = arith.constant 0 : i32
    %dma_wait3A_210 = tpu.memref_slice %arg2[%dma_wait3A_208, %dma_wait3A_209] : memref<36928x768xf32, #tpu.memory_space<hbm>> -> memref<36928x768xf32, #tpu.memory_space<hbm>>
    tpu.wait_indirect_dma semaphore(%arg13 : memref<!tpu.dma_semaphore, #tpu.memory_space<semaphore_mem>>) src(%dma_wait3A_210 : memref<36928x768xf32, #tpu.memory_space<hbm>>) dst(%arg6 : memref<24x768xf32, #tpu.memory_space<vmem>>)
    %add3A_211 = arith.constant 144 : i32
    %add3A_212 = arith.addi %add3A_6, %add3A_211 : i32
    %dma_start3A_213 = arith.constant 0 : i32
    %dma_start3A_214 = tpu.memref_slice %arg4[%add3A_212, %dma_start3A_213] : memref<9280x768xf32, #tpu.memory_space<hbm>> -> memref<24x768xf32, #tpu.memory_space<hbm>>
    %dma_start3A_215 = arith.constant 0 : i32
    %dma_start3A_216 = tpu.memref_slice %arg4[%add3A_212, %dma_start3A_215] : memref<9280x768xf32, #tpu.memory_space<hbm>> -> memref<24x768xf32, #tpu.memory_space<hbm>>
    tpu.enqueue_dma source(%arg6 : memref<24x768xf32, #tpu.memory_space<vmem>>) target(%dma_start3A_216 : memref<24x768xf32, #tpu.memory_space<hbm>>) target_semaphore(%arg20 : memref<!tpu.dma_semaphore, #tpu.memory_space<semaphore_mem>>)
    %convert_element_type3A = arith.extui %lt3A_7 : i1 to i32
    %cond3A = arith.constant 0 : i32
    %cond3A_217 = arith.cmpi ne, %convert_element_type3A, %cond3A : i32
    scf.if %cond3A_217 {
      %dma_start3A_322 = arith.constant 12 : i32
      %dma_start3A_323 = arith.constant 0 : i32
      %dma_start3A_324 = tpu.memref_slice %arg5[%dma_start3A_322, %dma_start3A_323] : memref<13x24xi32, #tpu.memory_space<vmem>> -> memref<1x8xi32, #tpu.memory_space<vmem>>
      %dma_start3A_325 = tpu.memref_squeeze %dma_start3A_324 : memref<1x8xi32, #tpu.memory_space<vmem>> -> memref<8xi32, #tpu.memory_space<vmem>>
      %dma_start3A_326 = arith.constant 0 : i32
      %dma_start3A_327 = arith.constant 0 : i32
      %dma_start3A_328 = tpu.memref_slice %arg2[%dma_start3A_326, %dma_start3A_327] : memref<36928x768xf32, #tpu.memory_space<hbm>> -> memref<36928x768xf32, #tpu.memory_space<hbm>>
      tpu.enqueue_indirect_dma source(%dma_start3A_328 : memref<36928x768xf32, #tpu.memory_space<hbm>>) target(%arg12 : memref<8x768xf32, #tpu.memory_space<vmem>>) offsets(%dma_start3A_325 : memref<8xi32, #tpu.memory_space<vmem>>) semaphore(%arg19 : memref<!tpu.dma_semaphore, #tpu.memory_space<semaphore_mem>>)
    } else {
    }
    %dma_wait3A_218 = arith.constant 7 : i32
    %dma_wait3A_219 = arith.constant 0 : i32
    %dma_wait3A_220 = tpu.memref_slice %arg5[%dma_wait3A_218, %dma_wait3A_219] : memref<13x24xi32, #tpu.memory_space<vmem>> -> memref<1x24xi32, #tpu.memory_space<vmem>>
    %dma_wait3A_221 = tpu.memref_squeeze %dma_wait3A_220 : memref<1x24xi32, #tpu.memory_space<vmem>> -> memref<24xi32, #tpu.memory_space<vmem>>
    %dma_wait3A_222 = arith.constant 0 : i32
    %dma_wait3A_223 = arith.constant 0 : i32
    %dma_wait3A_224 = tpu.memref_slice %arg2[%dma_wait3A_222, %dma_wait3A_223] : memref<36928x768xf32, #tpu.memory_space<hbm>> -> memref<36928x768xf32, #tpu.memory_space<hbm>>
    tpu.wait_indirect_dma semaphore(%arg14 : memref<!tpu.dma_semaphore, #tpu.memory_space<semaphore_mem>>) src(%dma_wait3A_224 : memref<36928x768xf32, #tpu.memory_space<hbm>>) dst(%arg7 : memref<24x768xf32, #tpu.memory_space<vmem>>)
    %add3A_225 = arith.constant 168 : i32
    %add3A_226 = arith.addi %add3A_6, %add3A_225 : i32
    %dma_start3A_227 = arith.constant 0 : i32
    %dma_start3A_228 = tpu.memref_slice %arg4[%add3A_226, %dma_start3A_227] : memref<9280x768xf32, #tpu.memory_space<hbm>> -> memref<24x768xf32, #tpu.memory_space<hbm>>
    %dma_start3A_229 = arith.constant 0 : i32
    %dma_start3A_230 = tpu.memref_slice %arg4[%add3A_226, %dma_start3A_229] : memref<9280x768xf32, #tpu.memory_space<hbm>> -> memref<24x768xf32, #tpu.memory_space<hbm>>
    tpu.enqueue_dma source(%arg7 : memref<24x768xf32, #tpu.memory_space<vmem>>) target(%dma_start3A_230 : memref<24x768xf32, #tpu.memory_space<hbm>>) target_semaphore(%arg21 : memref<!tpu.dma_semaphore, #tpu.memory_space<semaphore_mem>>)
    %dma_wait3A_231 = arith.constant 8 : i32
    %dma_wait3A_232 = arith.constant 0 : i32
    %dma_wait3A_233 = tpu.memref_slice %arg5[%dma_wait3A_231, %dma_wait3A_232] : memref<13x24xi32, #tpu.memory_space<vmem>> -> memref<1x24xi32, #tpu.memory_space<vmem>>
    %dma_wait3A_234 = tpu.memref_squeeze %dma_wait3A_233 : memref<1x24xi32, #tpu.memory_space<vmem>> -> memref<24xi32, #tpu.memory_space<vmem>>
    %dma_wait3A_235 = arith.constant 0 : i32
    %dma_wait3A_236 = arith.constant 0 : i32
    %dma_wait3A_237 = tpu.memref_slice %arg2[%dma_wait3A_235, %dma_wait3A_236] : memref<36928x768xf32, #tpu.memory_space<hbm>> -> memref<36928x768xf32, #tpu.memory_space<hbm>>
    tpu.wait_indirect_dma semaphore(%arg15 : memref<!tpu.dma_semaphore, #tpu.memory_space<semaphore_mem>>) src(%dma_wait3A_237 : memref<36928x768xf32, #tpu.memory_space<hbm>>) dst(%arg8 : memref<24x768xf32, #tpu.memory_space<vmem>>)
    %add3A_238 = arith.constant 192 : i32
    %add3A_239 = arith.addi %add3A_6, %add3A_238 : i32
    %dma_start3A_240 = arith.constant 0 : i32
    %dma_start3A_241 = tpu.memref_slice %arg4[%add3A_239, %dma_start3A_240] : memref<9280x768xf32, #tpu.memory_space<hbm>> -> memref<24x768xf32, #tpu.memory_space<hbm>>
    %dma_start3A_242 = arith.constant 0 : i32
    %dma_start3A_243 = tpu.memref_slice %arg4[%add3A_239, %dma_start3A_242] : memref<9280x768xf32, #tpu.memory_space<hbm>> -> memref<24x768xf32, #tpu.memory_space<hbm>>
    tpu.enqueue_dma source(%arg8 : memref<24x768xf32, #tpu.memory_space<vmem>>) target(%dma_start3A_243 : memref<24x768xf32, #tpu.memory_space<hbm>>) target_semaphore(%arg22 : memref<!tpu.dma_semaphore, #tpu.memory_space<semaphore_mem>>)
    %dma_wait3A_244 = arith.constant 9 : i32
    %dma_wait3A_245 = arith.constant 0 : i32
    %dma_wait3A_246 = tpu.memref_slice %arg5[%dma_wait3A_244, %dma_wait3A_245] : memref<13x24xi32, #tpu.memory_space<vmem>> -> memref<1x24xi32, #tpu.memory_space<vmem>>
    %dma_wait3A_247 = tpu.memref_squeeze %dma_wait3A_246 : memref<1x24xi32, #tpu.memory_space<vmem>> -> memref<24xi32, #tpu.memory_space<vmem>>
    %dma_wait3A_248 = arith.constant 0 : i32
    %dma_wait3A_249 = arith.constant 0 : i32
    %dma_wait3A_250 = tpu.memref_slice %arg2[%dma_wait3A_248, %dma_wait3A_249] : memref<36928x768xf32, #tpu.memory_space<hbm>> -> memref<36928x768xf32, #tpu.memory_space<hbm>>
    tpu.wait_indirect_dma semaphore(%arg16 : memref<!tpu.dma_semaphore, #tpu.memory_space<semaphore_mem>>) src(%dma_wait3A_250 : memref<36928x768xf32, #tpu.memory_space<hbm>>) dst(%arg9 : memref<24x768xf32, #tpu.memory_space<vmem>>)
    %add3A_251 = arith.constant 216 : i32
    %add3A_252 = arith.addi %add3A_6, %add3A_251 : i32
    %dma_start3A_253 = arith.constant 0 : i32
    %dma_start3A_254 = tpu.memref_slice %arg4[%add3A_252, %dma_start3A_253] : memref<9280x768xf32, #tpu.memory_space<hbm>> -> memref<24x768xf32, #tpu.memory_space<hbm>>
    %dma_start3A_255 = arith.constant 0 : i32
    %dma_start3A_256 = tpu.memref_slice %arg4[%add3A_252, %dma_start3A_255] : memref<9280x768xf32, #tpu.memory_space<hbm>> -> memref<24x768xf32, #tpu.memory_space<hbm>>
    tpu.enqueue_dma source(%arg9 : memref<24x768xf32, #tpu.memory_space<vmem>>) target(%dma_start3A_256 : memref<24x768xf32, #tpu.memory_space<hbm>>) target_semaphore(%arg23 : memref<!tpu.dma_semaphore, #tpu.memory_space<semaphore_mem>>)
    %dma_wait3A_257 = arith.constant 10 : i32
    %dma_wait3A_258 = arith.constant 0 : i32
    %dma_wait3A_259 = tpu.memref_slice %arg5[%dma_wait3A_257, %dma_wait3A_258] : memref<13x24xi32, #tpu.memory_space<vmem>> -> memref<1x24xi32, #tpu.memory_space<vmem>>
    %dma_wait3A_260 = tpu.memref_squeeze %dma_wait3A_259 : memref<1x24xi32, #tpu.memory_space<vmem>> -> memref<24xi32, #tpu.memory_space<vmem>>
    %dma_wait3A_261 = arith.constant 0 : i32
    %dma_wait3A_262 = arith.constant 0 : i32
    %dma_wait3A_263 = tpu.memref_slice %arg2[%dma_wait3A_261, %dma_wait3A_262] : memref<36928x768xf32, #tpu.memory_space<hbm>> -> memref<36928x768xf32, #tpu.memory_space<hbm>>
    tpu.wait_indirect_dma semaphore(%arg17 : memref<!tpu.dma_semaphore, #tpu.memory_space<semaphore_mem>>) src(%dma_wait3A_263 : memref<36928x768xf32, #tpu.memory_space<hbm>>) dst(%arg10 : memref<24x768xf32, #tpu.memory_space<vmem>>)
    %add3A_264 = arith.constant 240 : i32
    %add3A_265 = arith.addi %add3A_6, %add3A_264 : i32
    %dma_start3A_266 = arith.constant 0 : i32
    %dma_start3A_267 = tpu.memref_slice %arg4[%add3A_265, %dma_start3A_266] : memref<9280x768xf32, #tpu.memory_space<hbm>> -> memref<24x768xf32, #tpu.memory_space<hbm>>
    %dma_start3A_268 = arith.constant 0 : i32
    %dma_start3A_269 = tpu.memref_slice %arg4[%add3A_265, %dma_start3A_268] : memref<9280x768xf32, #tpu.memory_space<hbm>> -> memref<24x768xf32, #tpu.memory_space<hbm>>
    tpu.enqueue_dma source(%arg10 : memref<24x768xf32, #tpu.memory_space<vmem>>) target(%dma_start3A_269 : memref<24x768xf32, #tpu.memory_space<hbm>>) target_semaphore(%arg24 : memref<!tpu.dma_semaphore, #tpu.memory_space<semaphore_mem>>)
    %dma_wait3A_270 = arith.constant 11 : i32
    %dma_wait3A_271 = arith.constant 0 : i32
    %dma_wait3A_272 = tpu.memref_slice %arg5[%dma_wait3A_270, %dma_wait3A_271] : memref<13x24xi32, #tpu.memory_space<vmem>> -> memref<1x24xi32, #tpu.memory_space<vmem>>
    %dma_wait3A_273 = tpu.memref_squeeze %dma_wait3A_272 : memref<1x24xi32, #tpu.memory_space<vmem>> -> memref<24xi32, #tpu.memory_space<vmem>>
    %dma_wait3A_274 = arith.constant 0 : i32
    %dma_wait3A_275 = arith.constant 0 : i32
    %dma_wait3A_276 = tpu.memref_slice %arg2[%dma_wait3A_274, %dma_wait3A_275] : memref<36928x768xf32, #tpu.memory_space<hbm>> -> memref<36928x768xf32, #tpu.memory_space<hbm>>
    tpu.wait_indirect_dma semaphore(%arg18 : memref<!tpu.dma_semaphore, #tpu.memory_space<semaphore_mem>>) src(%dma_wait3A_276 : memref<36928x768xf32, #tpu.memory_space<hbm>>) dst(%arg11 : memref<24x768xf32, #tpu.memory_space<vmem>>)
    %add3A_277 = arith.constant 264 : i32
    %add3A_278 = arith.addi %add3A_6, %add3A_277 : i32
    %dma_start3A_279 = arith.constant 0 : i32
    %dma_start3A_280 = tpu.memref_slice %arg4[%add3A_278, %dma_start3A_279] : memref<9280x768xf32, #tpu.memory_space<hbm>> -> memref<24x768xf32, #tpu.memory_space<hbm>>
    %dma_start3A_281 = arith.constant 0 : i32
    %dma_start3A_282 = tpu.memref_slice %arg4[%add3A_278, %dma_start3A_281] : memref<9280x768xf32, #tpu.memory_space<hbm>> -> memref<24x768xf32, #tpu.memory_space<hbm>>
    tpu.enqueue_dma source(%arg11 : memref<24x768xf32, #tpu.memory_space<vmem>>) target(%dma_start3A_282 : memref<24x768xf32, #tpu.memory_space<hbm>>) target_semaphore(%arg25 : memref<!tpu.dma_semaphore, #tpu.memory_space<semaphore_mem>>)
    %convert_element_type3A_283 = arith.extui %lt3A_7 : i1 to i32
    %cond3A_284 = arith.constant 0 : i32
    %cond3A_285 = arith.cmpi ne, %convert_element_type3A_283, %cond3A_284 : i32
    scf.if %cond3A_285 {
      %dma_wait3A_322 = arith.constant 12 : i32
      %dma_wait3A_323 = arith.constant 0 : i32
      %dma_wait3A_324 = tpu.memref_slice %arg5[%dma_wait3A_322, %dma_wait3A_323] : memref<13x24xi32, #tpu.memory_space<vmem>> -> memref<1x8xi32, #tpu.memory_space<vmem>>
      %dma_wait3A_325 = tpu.memref_squeeze %dma_wait3A_324 : memref<1x8xi32, #tpu.memory_space<vmem>> -> memref<8xi32, #tpu.memory_space<vmem>>
      %dma_wait3A_326 = arith.constant 0 : i32
      %dma_wait3A_327 = arith.constant 0 : i32
      %dma_wait3A_328 = tpu.memref_slice %arg2[%dma_wait3A_326, %dma_wait3A_327] : memref<36928x768xf32, #tpu.memory_space<hbm>> -> memref<36928x768xf32, #tpu.memory_space<hbm>>
      tpu.wait_indirect_dma semaphore(%arg19 : memref<!tpu.dma_semaphore, #tpu.memory_space<semaphore_mem>>) src(%dma_wait3A_328 : memref<36928x768xf32, #tpu.memory_space<hbm>>) dst(%arg12 : memref<8x768xf32, #tpu.memory_space<vmem>>)
      %add3A_329 = arith.constant 288 : i32
      %add3A_330 = arith.addi %add3A_6, %add3A_329 : i32
      "tpu.region"() ({
        %run_scoped3A = tpu.sem_alloc : memref<!tpu.dma_semaphore, #tpu.memory_space<semaphore_mem>>
        %dma_start3A_331 = arith.constant 0 : i32
        %dma_start3A_332 = tpu.memref_slice %arg4[%add3A_330, %dma_start3A_331] : memref<9280x768xf32, #tpu.memory_space<hbm>> -> memref<8x768xf32, #tpu.memory_space<hbm>>
        %dma_start3A_333 = arith.constant 0 : i32
        %dma_start3A_334 = tpu.memref_slice %arg4[%add3A_330, %dma_start3A_333] : memref<9280x768xf32, #tpu.memory_space<hbm>> -> memref<8x768xf32, #tpu.memory_space<hbm>>
        tpu.enqueue_dma source(%arg12 : memref<8x768xf32, #tpu.memory_space<vmem>>) target(%dma_start3A_334 : memref<8x768xf32, #tpu.memory_space<hbm>>) target_semaphore(%run_scoped3A : memref<!tpu.dma_semaphore, #tpu.memory_space<semaphore_mem>>)
        %dma_wait3A_335 = arith.constant 0 : i32
        %dma_wait3A_336 = tpu.memref_slice %arg4[%add3A_330, %dma_wait3A_335] : memref<9280x768xf32, #tpu.memory_space<hbm>> -> memref<8x768xf32, #tpu.memory_space<hbm>>
        %dma_wait3A_337 = arith.constant 0 : i32
        %dma_wait3A_338 = tpu.memref_slice %arg4[%add3A_330, %dma_wait3A_337] : memref<9280x768xf32, #tpu.memory_space<hbm>> -> memref<8x768xf32, #tpu.memory_space<hbm>>
        tpu.wait_dma2 semaphore(%run_scoped3A : memref<!tpu.dma_semaphore, #tpu.memory_space<semaphore_mem>>) src(%arg12 : memref<8x768xf32, #tpu.memory_space<vmem>>) dst(%dma_wait3A_338 : memref<8x768xf32, #tpu.memory_space<hbm>>)
        tpu.yield
      }) : () -> ()
    } else {
    }
    %add3A_286 = arith.constant 144 : i32
    %add3A_287 = arith.addi %add3A_6, %add3A_286 : i32
    %dma_wait3A_288 = arith.constant 0 : i32
    %dma_wait3A_289 = tpu.memref_slice %arg4[%add3A_287, %dma_wait3A_288] : memref<9280x768xf32, #tpu.memory_space<hbm>> -> memref<24x768xf32, #tpu.memory_space<hbm>>
    %dma_wait3A_290 = arith.constant 0 : i32
    %dma_wait3A_291 = tpu.memref_slice %arg4[%add3A_287, %dma_wait3A_290] : memref<9280x768xf32, #tpu.memory_space<hbm>> -> memref<24x768xf32, #tpu.memory_space<hbm>>
    tpu.wait_dma2 semaphore(%arg20 : memref<!tpu.dma_semaphore, #tpu.memory_space<semaphore_mem>>) src(%arg6 : memref<24x768xf32, #tpu.memory_space<vmem>>) dst(%dma_wait3A_291 : memref<24x768xf32, #tpu.memory_space<hbm>>)
    %add3A_292 = arith.constant 168 : i32
    %add3A_293 = arith.addi %add3A_6, %add3A_292 : i32
    %dma_wait3A_294 = arith.constant 0 : i32
    %dma_wait3A_295 = tpu.memref_slice %arg4[%add3A_293, %dma_wait3A_294] : memref<9280x768xf32, #tpu.memory_space<hbm>> -> memref<24x768xf32, #tpu.memory_space<hbm>>
    %dma_wait3A_296 = arith.constant 0 : i32
    %dma_wait3A_297 = tpu.memref_slice %arg4[%add3A_293, %dma_wait3A_296] : memref<9280x768xf32, #tpu.memory_space<hbm>> -> memref<24x768xf32, #tpu.memory_space<hbm>>
    tpu.wait_dma2 semaphore(%arg21 : memref<!tpu.dma_semaphore, #tpu.memory_space<semaphore_mem>>) src(%arg7 : memref<24x768xf32, #tpu.memory_space<vmem>>) dst(%dma_wait3A_297 : memref<24x768xf32, #tpu.memory_space<hbm>>)
    %add3A_298 = arith.constant 192 : i32
    %add3A_299 = arith.addi %add3A_6, %add3A_298 : i32
    %dma_wait3A_300 = arith.constant 0 : i32
    %dma_wait3A_301 = tpu.memref_slice %arg4[%add3A_299, %dma_wait3A_300] : memref<9280x768xf32, #tpu.memory_space<hbm>> -> memref<24x768xf32, #tpu.memory_space<hbm>>
    %dma_wait3A_302 = arith.constant 0 : i32
    %dma_wait3A_303 = tpu.memref_slice %arg4[%add3A_299, %dma_wait3A_302] : memref<9280x768xf32, #tpu.memory_space<hbm>> -> memref<24x768xf32, #tpu.memory_space<hbm>>
    tpu.wait_dma2 semaphore(%arg22 : memref<!tpu.dma_semaphore, #tpu.memory_space<semaphore_mem>>) src(%arg8 : memref<24x768xf32, #tpu.memory_space<vmem>>) dst(%dma_wait3A_303 : memref<24x768xf32, #tpu.memory_space<hbm>>)
    %add3A_304 = arith.constant 216 : i32
    %add3A_305 = arith.addi %add3A_6, %add3A_304 : i32
    %dma_wait3A_306 = arith.constant 0 : i32
    %dma_wait3A_307 = tpu.memref_slice %arg4[%add3A_305, %dma_wait3A_306] : memref<9280x768xf32, #tpu.memory_space<hbm>> -> memref<24x768xf32, #tpu.memory_space<hbm>>
    %dma_wait3A_308 = arith.constant 0 : i32
    %dma_wait3A_309 = tpu.memref_slice %arg4[%add3A_305, %dma_wait3A_308] : memref<9280x768xf32, #tpu.memory_space<hbm>> -> memref<24x768xf32, #tpu.memory_space<hbm>>
    tpu.wait_dma2 semaphore(%arg23 : memref<!tpu.dma_semaphore, #tpu.memory_space<semaphore_mem>>) src(%arg9 : memref<24x768xf32, #tpu.memory_space<vmem>>) dst(%dma_wait3A_309 : memref<24x768xf32, #tpu.memory_space<hbm>>)
    %add3A_310 = arith.constant 240 : i32
    %add3A_311 = arith.addi %add3A_6, %add3A_310 : i32
    %dma_wait3A_312 = arith.constant 0 : i32
    %dma_wait3A_313 = tpu.memref_slice %arg4[%add3A_311, %dma_wait3A_312] : memref<9280x768xf32, #tpu.memory_space<hbm>> -> memref<24x768xf32, #tpu.memory_space<hbm>>
    %dma_wait3A_314 = arith.constant 0 : i32
    %dma_wait3A_315 = tpu.memref_slice %arg4[%add3A_311, %dma_wait3A_314] : memref<9280x768xf32, #tpu.memory_space<hbm>> -> memref<24x768xf32, #tpu.memory_space<hbm>>
    tpu.wait_dma2 semaphore(%arg24 : memref<!tpu.dma_semaphore, #tpu.memory_space<semaphore_mem>>) src(%arg10 : memref<24x768xf32, #tpu.memory_space<vmem>>) dst(%dma_wait3A_315 : memref<24x768xf32, #tpu.memory_space<hbm>>)
    %add3A_316 = arith.constant 264 : i32
    %add3A_317 = arith.addi %add3A_6, %add3A_316 : i32
    %dma_wait3A_318 = arith.constant 0 : i32
    %dma_wait3A_319 = tpu.memref_slice %arg4[%add3A_317, %dma_wait3A_318] : memref<9280x768xf32, #tpu.memory_space<hbm>> -> memref<24x768xf32, #tpu.memory_space<hbm>>
    %dma_wait3A_320 = arith.constant 0 : i32
    %dma_wait3A_321 = tpu.memref_slice %arg4[%add3A_317, %dma_wait3A_320] : memref<9280x768xf32, #tpu.memory_space<hbm>> -> memref<24x768xf32, #tpu.memory_space<hbm>>
    tpu.wait_dma2 semaphore(%arg25 : memref<!tpu.dma_semaphore, #tpu.memory_space<semaphore_mem>>) src(%arg11 : memref<24x768xf32, #tpu.memory_space<vmem>>) dst(%dma_wait3A_321 : memref<24x768xf32, #tpu.memory_space<hbm>>)
    return
  }
}

</mosaic_0001>

<sc_bundles>
// kernel: _run.3.cloned.1.call-start
scs
__scs_entry_jumppad:
0x0: {  	(pc) =	sbr.rel $0x88, $3  }
0x1: {  	(tag) =	ssettag $0x0;
	lr =	simm.s32 $0x1  }
0x2: {  	[smem:$0x3FA0] =	sst lr;
	_ =	strace $0xD0000000  }
0x3: {  	_ = 	snop  }
0x4: {  	_ = 	snop  }
0x5: {  	_ = 	snop  }
0x6: {  	_ = 	snop  }
0x7: {  	_ = 	snop  }
__scs_overlays_trampoline_lowered:
0x8: {  	[smem:$0x3FAF] =	sst s0  }
0x9: {  	[smem:$0x3FB0] =	sst s1  }
0xa: {  	[smem:$0x3FB1] =	sst s2  }
0xb: {  	[smem:$0x3FB2] =	sst s3  }
0xc: {  	[smem:$0x3FB3] =	sst s4  }
0xd: {  	[smem:$0x3FB4] =	sst s5  }
0xe: {  	[smem:$0x3FB5] =	sst s6  }
0xf: {  	[smem:$0x3FB6] =	sst s7  }
0x10: {  	[smem:$0x3FB7] =	sst s8  }
0x11: {  	[smem:$0x3FB8] =	sst s9;
	s0 =	simm.s32 @!p0 $0x0  }
0x12: {  	s1 =	sld [smem:$0x3F9E];
	s0 =	simm.s32 @p0 $0x1  }
0x13: {  	[smem:$0x3FB9] =	sst s0;
	s0 =	simm.s32 @!p1 $0x0  }
0x14: {  	s2 =	sld [smem:$0x3F9D];
	s0 =	simm.s32 @p1 $0x1  }
0x15: {  	[smem:$0x3FBA] =	sst s0;
	s0 =	simm.s32 @!p2 $0x0  }
0x16: {  	s3 =	sld [smem:$0x3FDB];
	s0 =	simm.s32 @p2 $0x1  }
0x17: {  	s4 =	simm.s32 $0x1BF5;
	[smem:$0x3FBC] =	sst s0  }
0x18: {  	s0 =	sld [smem:$0x3F9F];
	_ =	swait.ge [sflag:s4], $0x0  }
0x19: {  	s7 =	sld [smem:$0x3FA0]  }
0x1a: {  	s8 =	sadd.s32 $0xFFFFE003, lr  }
0x1b: {  	s9 =	sadd.s32 $0xFFFFFEF7, lr;
	s5 =	simm.s32 $0xFFFFFFFF;
	p2 =	slt.u32 s8, $0xFFFFF086  }
0x1c: {  	p1 =	slt.u32 s9, $0xF7A;
	s5 =	simm.s32 @!p2 $0x0  }
0x1d: {  	s5 =	simm.s32 @p1 $0x1;
	p0 =	seq.s32 s7, s2  }
0x1e: {  	s7 =	smul.u32 @!p0 $0xF7A, s2;
	p2 =	seq.s32 @!p0 s5, $0x0  }
0x1f: {  	s9 =	smul.u32 $0xF7A, s1;
	s8 =	simm.s32 @!p0 $0x1BF5;
	p2 =	por !p2, p0  }
0x20: {  	[sflag:s8] =	ssyncset.s32 @!p0 $0xFFFFF086;
	s6 =	sadd.s32 @!p0 s3, s7;
	s7 =	simm.s32 @!p0 $0x108  }
0x21: {  	s3 =	sadd.s32 s3, s9;
	s6 =	sadd.s32 @!p0 $0x88, s6;
	s7 =	simm.s32 @p2 $0x1082  }
0x22: {  	[simem:s7], [sflag:s8] =	dma.local @!p0 [hbm:s6], $0xF7A  }
0x23: {  	s9 =	sor.u32 $0xD0000000, s2;
	s6 =	simm.s32 $0x108;
	_ =	swait.ge @!p0 [sflag:s8], $0x0  }
0x24: {  	s3 =	sadd.s32 $0x88, s3;
	s6 =	simm.s32 @!p1 $0x1082;
	[sflag:s4] =	ssyncset.s32 $0xFFFFF086  }
0x25: {  	[simem:s6], [sflag:s4] =	dma.local [hbm:s3], $0xF7A  }
0x26: {  	[smem:$0x3FA0] =	sst s1;
	(tag) =	ssettag s2;
	_ =	strace s9  }
0x27: {  	s1 =	sld [smem:$0x3FB0]  }
0x28: {  	s2 =	sld [smem:$0x3FB1]  }
0x29: {  	s4 =	sld [smem:$0x3FB3]  }
0x2a: {  	p0 =	seq.s32 s5, $0x0;
	s5 =	sld [smem:$0x3FB4]  }
0x2b: {  	s6 =	sld [smem:$0x3FB5]  }
0x2c: {  	s7 =	sld [smem:$0x3FB6]  }
0x2d: {  	s3 =	simm.s32 $0x108;
	s8 =	sld [smem:$0x3FB7]  }
0x2e: {  	s3 =	simm.s32 @!p0 $0x1082;
	s9 =	sld [smem:$0x3FB8]  }
0x2f: {  	lr =	sadd.s32 s0, s3;
	s0 =	sld [smem:$0x3FAF]  }
0x30: {  	s3 =	sld [smem:$0x3FB2]  }
0x31: {  	[smem:$0x3FBB] =	sst s10  }
0x32: {  	s10 =	sld [smem:$0x3FB9];
	_ =	sdelay $0x3  }
0x33: {  	p0 =	seq.s32 s10, $0x1;
	s10 =	sld [smem:$0x3FBB];
	_ =	sdelay $0x3  }
0x34: {  	[smem:$0x3FBB] =	sst s10  }
0x35: {  	s10 =	sld [smem:$0x3FBA];
	_ =	sdelay $0x3  }
0x36: {  	p1 =	seq.s32 s10, $0x1;
	s10 =	sld [smem:$0x3FBB];
	_ =	sdelay $0x3  }
0x37: {  	[smem:$0x3FBB] =	sst s10  }
0x38: {  	s10 =	sld [smem:$0x3FBC]  }
0x39: {  	_ = 	snop;
	(pc) =	sbr.ind lr, $3  }
0x3a: {  	_ = 	snop  }
0x3b: {  	_ = 	snop  }
0x3c: {  	p2 =	seq.s32 s10, $0x1;
	s10 =	sld [smem:$0x3FBB]  }
0x3d: {  	_ =	shalt  }
0x3e: {  	_ =	shalt  }
0x3f: {  	_ =	shalt  }
0x40: {  	_ =	shalt  }
0x41: {  	_ =	shalt  }
0x42: {  	_ =	shalt  }
0x43: {  	_ =	shalt  }
0x44: {  	_ =	shalt  }
0x45: {  	_ =	shalt  }
0x46: {  	_ =	shalt  }
0x47: {  	_ =	shalt  }
0x48: {  	_ =	shalt  }
0x49: {  	_ =	shalt  }
0x4a: {  	_ =	shalt  }
0x4b: {  	_ =	shalt  }
0x4c: {  	_ =	shalt  }
0x4d: {  	_ =	shalt  }
0x4e: {  	_ =	shalt  }
0x4f: {  	_ =	shalt  }
0x50: {  	_ =	shalt  }
0x51: {  	_ =	shalt  }
0x52: {  	_ =	shalt  }
0x53: {  	_ =	shalt  }
0x54: {  	_ =	shalt  }
0x55: {  	_ =	shalt  }
0x56: {  	_ =	shalt  }
0x57: {  	_ =	shalt  }
0x58: {  	_ =	shalt  }
0x59: {  	_ =	shalt  }
0x5a: {  	_ =	shalt  }
0x5b: {  	_ =	shalt  }
0x5c: {  	_ =	shalt  }
0x5d: {  	_ =	shalt  }
0x5e: {  	_ =	shalt  }
0x5f: {  	_ =	shalt  }
0x60: {  	_ =	shalt  }
0x61: {  	_ =	shalt  }
0x62: {  	_ =	shalt  }
0x63: {  	_ =	shalt  }
0x64: {  	_ =	shalt  }
0x65: {  	_ =	shalt  }
0x66: {  	_ =	shalt  }
0x67: {  	_ =	shalt  }
0x68: {  	_ =	shalt  }
0x69: {  	_ =	shalt  }
0x6a: {  	_ =	shalt  }
0x6b: {  	_ =	shalt  }
0x6c: {  	_ =	shalt  }
0x6d: {  	_ =	shalt  }
0x6e: {  	_ =	shalt  }
0x6f: {  	_ =	shalt  }
0x70: {  	_ =	shalt  }
0x71: {  	_ =	shalt  }
0x72: {  	_ =	shalt  }
0x73: {  	_ =	shalt  }
0x74: {  	_ =	shalt  }
0x75: {  	_ =	shalt  }
0x76: {  	_ =	shalt  }
0x77: {  	_ =	shalt  }
0x78: {  	_ =	shalt  }
0x79: {  	_ =	shalt  }
0x7a: {  	_ =	shalt  }
0x7b: {  	_ =	shalt  }
0x7c: {  	_ =	shalt  }
0x7d: {  	_ =	shalt  }
0x7e: {  	_ =	shalt  }
0x7f: {  	_ =	shalt  }
0x80: {  	_ =	shalt  }
0x81: {  	_ =	shalt  }
0x82: {  	_ =	shalt  }
0x83: {  	_ =	shalt  }
0x84: {  	_ =	shalt  }
0x85: {  	_ =	shalt  }
0x86: {  	_ =	shalt  }
0x87: {  	_ =	shalt  }
.Lfunc_end0:
.L_simem_size_0:
called_computation_lowered:
.L_overlay_start_0:
0x88: {  	s2 =	sld [smem:$0x3FD9]  }
0x89: {  	s3 =	sld [smem:$0x3FFE];
	_ =	sdelay $0x1  }
0x8a: {  	s1 =	srdreg.scid  }
0x8b: {  	s0 =	sand.u32 $0x1, s1  }
0x8c: {  	s14 =	sshll.u32 s0, $0xA;
	s2 =	sadd.s32 s3, s2  }
0x8d: {  	s2 =	sadd.s32 s2, s14  }
0x8e: {  	[smem:$0x3FC7] =	sst s2  }
0x8f: {  	_ = 	snop  }
0x90: {  	s2 =	sld [smem:$0x3FD0];
	_ =	sdelay $0x2  }
0x91: {  	s4 =	simm.s32 $0xA;
	s5 =	simm.s32 $0x10;
	s15 =	sld [smem:$0x3FC9]  }
0x92: {  	[smem:s5], [sflag:s4] =	dma.local [hbm:s2], $0x1  }
0x93: {  	_ =	swait.eq [sflag:s4], $0x1  }
0x94: {  	[sflag:s4] =	ssyncset.done $0x0  }
0x95: {  	[sflag:s4] =	ssyncadd.s32 $0xFFFFFFFF  }
0x96: {  	s16 =	sld [smem:$0x10];
	(tm) =	ssettm $0x1  }
0x97: {  	s17 =	sld [smem:$0x3FFB];
	_ =	sdelay $0x3  }
0x98: {  	_ =	strace s17  }
0x99: {  	s4 =	sld [smem:$0x3FFC];
	_ =	sdelay $0x3  }
0x9a: {  	_ =	strace s4  }
0x9b: {  	s4 =	sld [smem:$0x3FFD];
	_ =	sdelay $0x3  }
0x9c: {  	_ =	strace s4  }
0x9d: {  	_ =	strace $0x8FFFFFFF  }
0x9e: {  	s18 =	sld [smem:$0x3FDB];
	_ =	sdelay $0x1  }
0x9f: {  	s19 =	simm.s32 $_scs_section_size  }
0xa0: {  	s6 =	simm.s32 $_size__tile_overlayer_lowered;
	s7 =	simm.s32 $_tile_overlayer_lowered  }
0xa1: {  	s22 =	simm.s32 $0x1BFF;
	s21 =	sshll.u32 s7, $0x1;
	s4 =	sadd.s32 s19, s18  }
0xa2: {  	s8 =	simm.s32 $0x0;
	s20 =	sshll.u32 s6, $0x1;
	s6 =	sadd.s32 s21, s4  }
0xa3: {  	[timem:s8], [sflag:s22] =	dma.local [hbm:s6], s20  }
0xa4: {  	_ =	swait.ge [sflag:s22], s20  }
0xa5: {  	s5 =	ssub.s32 $0x0, s20;
	[sflag:s22] =	ssyncset.done $0x0  }
0xa6: {  	[sflag:s22] =	ssyncadd.s32 s5;
	_ =	sdelay $0x1  }
0xa7: {  	s23 =	simm.s32 $0x1B8B  }
0xa8: {  	_ =	swait.ge [sflag:s23], $0x1  }
0xa9: {  	[sflag:s23] =	ssyncset.done $0x0  }
0xaa: {  	s25 =	simm.s32 $0x1B8E;
	s24 =	sld [smem:$0x3FFE];
	[sflag:s23] =	ssyncadd.s32 $0xFFFFFFFF  }
0xab: {  	s26 =	simm.s32 $execute0_lowered;
	[smem:$0x3FD2] =	sst s25  }
0xac: {  	s6 =	sshll.u32 s26, $0x1;
	_ =	strace $0x80000046;
	[dreg:$0x1] =	wrdreg $0xFFFFFFFF  }
0xad: {  	s28 =	simm.s32 $_size_execute0_lowered;
	s4 =	sadd.s32 s4, s6;
	[dreg:$0x0] =	wrdreg $0x0  }
0xae: {  	s6 =	sshll.u32 s28, $0x1;
	[dreg:$0x2] =	wrdreg s4  }
0xaf: {  	[dreg:$0x3] =	wrdreg s6  }
0xb0: {  	[dreg:$0x4] =	wrdreg $0xC0  }
0xb1: {  	_ =	task [dreg:s8], $0x5FFFF  }
0xb2: {  	[dreg:$0x1] =	wrdreg $0xFFFFFFFF  }
0xb3: {  	[dreg:$0x0] =	wrdreg $0x60  }
0xb4: {  	[dreg:$0x2] =	wrdreg s15  }
0xb5: {  	[dreg:$0x3] =	wrdreg s24  }
0xb6: {  	[dreg:$0x4] =	wrdreg s16  }
0xb7: {  	[dreg:$0x5] =	wrdreg $0x9  }
0xb8: {  	_ =	task.clear_ibuf [dreg:s8], $0x6FFFF;
	_ =	strace $0x90000046  }
0xb9: {  	s29 =	simm.s32 $0x9;
	_ =	strace $0x80000048  }
0xba: {  	_ =	swait.ge [sflag:s29], $0x1  }
0xbb: {  	[sflag:s29] =	ssyncadd.s32 $0xFFFFFFFF  }
0xbc: {  	_ =	strace $0x90000048  }
0xbd: {  	_ =	sfence  }
0xbe: {  	s30 =	sld [smem:$0x0];
	_ =	sdelay $0x2  }
0xbf: {  	s31 =	sshll.u32 s1, $0xD;
	s1 =	sshrl.u32 s1, $0x2  }
0xc0: {  	s3 =	sand.u32 $0x4000, s31;
	s1 =	sadd.s32 s1, s30  }
0xc1: {  	s0 =	sor.u32 s3, s0;
	s1 =	sshll.u32 s1, $0x11  }
0xc2: {  	s0 =	sor.u32 s1, s0  }
0xc3: {  	s0 =	sadd.s32 $0x8F2B, s0  }
0xc4: {  	[sflag:s0] =	ssyncadd.remote.s32 $0x1  }
0xc5: {  	_ =	sfence.sel $0xFFFF  }
0xc6: {  	[dreg:$0x0] =	wrdreg $0xFFFFFFFF;
	(pc) =	sbr.abs _section_cstart, $3  }
0xc7: {  	[dreg:$0x1] =	wrdreg $0xFFFFFFFF  }
0xc8: {  	_ =	task.clear_ibuf [dreg:s8], $0x2FFFF;
	_ =	strace $0x9FFFFFFF  }
0xc9: {  	(tm) =	ssettm $0x7FFFFFFF  }
tec
execute0_lowered:
.L_overlay_start_1:
0x0: {  	(tag) =	ssettag $0x1  }
0x1: {  	s1 =	rddreg [dreg:$0x0]  }
0x2: {  	s0 =	rddreg [dreg:$0x1]  }
0x3: {  	s2 =	srdreg.scid;
	s9 =	stileid.u32  }
0x4: {  	s5 =	rddreg [dreg:$0x2];
	s30 =	simm.s32 $0xA000;
	s31 =	simm.s32 $0xA800  }
0x5: {  	s29 =	simm.s32 $0xB800;
	s2 =	sand.u32 $0x1, s2;
	s3 =	sshll.u32 s9, $0x1  }
0x6: {  	p0 =	sgt.u32 s9, $0x3;
	s4 =	sor.u32 s2, s3;
	s3 =	simm.s32 $0x0  }
0x7: {  	s2 =	ssub.s32 $0x2, s2;
	s6 =	smul.u32 $0x120, s4;
	s7 =	smin.u32 s4, $0x8  }
0x8: {  	[smem:$0x7FF] =	sst s3;
	s4 =	sshll.u32 s4, $0x8;
	s7 =	sshll.u32 s7, $0x3  }
0x9: {  	_ =	strace $0x80000047;
	s0 =	sadd.s32 s4, s0;
	s6 =	sadd.s32 s6, s7  }
0xa: {  	s0 =	sadd.s32 $0xA00, s0;
	s7 =	sshrl.u32 s6, $0x3;
	s8 =	sadd.s32 $0x18, s6  }
0xb: {  	s26 =	sadd.s32 $0x48, s6;
	[dreg:$0x4] =	wrdreg s0;
	s11 =	sadd.s32 $0x78, s6  }
0xc: {  	s16 =	sadd.s32 $0xA8, s6;
	s19 =	sadd.s32 $0xD8, s6;
	s6 =	sadd.s32 $0x108, s6  }
0xd: {  	s24 =	smul.u32 $0x300, s7;
	s25 =	sshrl.u32 s8, $0x3;
	s10 =	sshrl.u32 s26, $0x3  }
0xe: {  	s8 =	sshrl.u32 s11, $0x3;
	s17 =	sshrl.u32 s16, $0x3;
	s7 =	smul.u32 $0x300, s25  }
0xf: {  	s20 =	sshrl.u32 s19, $0x3;
	s6 =	sshrl.u32 s6, $0x3;
	s4 =	sadd.s32 s5, s24  }
0x10: {  	s0 =	smul.u32 $0x300, s10;
	s7 =	sadd.s32 s5, s7;
	[dreg:$0x11] =	wrdreg s4  }
0x11: {  	s11 =	simm.s32 $0x12800;
	s12 =	sadd.s32 $0x1200, s4;
	[dreg:$0x5] =	wrdreg s7  }
0x12: {  	s13 =	smul.u32 $0x300, s8;
	s0 =	sadd.s32 s5, s0;
	[dreg:$0x6] =	wrdreg s12  }
0x13: {  	s6 =	smul.u32 $0x300, s6;
	s14 =	sadd.s32 $0x2400, s4;
	[dreg:$0x7] =	wrdreg s0  }
0x14: {  	s8 =	simm.s32 $0x17000;
	s15 =	sadd.s32 s5, s13;
	[dreg:$0x8] =	wrdreg s14  }
0x15: {  	s24 =	sshrl.u32 s2, $0x1;
	s18 =	sadd.s32 $0x3600, s4;
	[dreg:$0x9] =	wrdreg s15  }
0x16: {  	s21 =	sadd.s32 $0x4800, s4;
	s23 =	sadd.s32 $0x5A00, s4;
	[dreg:$0xa] =	wrdreg s18  }
0x17: {  	s25 =	sadd.s32 s5, s6;
	s2 =	ssub.s32 s2, s24;
	[dreg:$0xc] =	wrdreg s21  }
0x18: {  	s26 =	sadd.s32 $0x6C00, s4;
	s6 =	sadd.s32 $0x200, s1;
	[dreg:$0xe] =	wrdreg s23  }
0x19: {  	s24 =	simm.s32 $0x8000;
	s0 =	smul.u32 $0x300, s17;
	[dreg:$0xf] =	wrdreg s25  }
0x1a: {  	s7 =	smul.u32 $0x300, s20;
	[dreg:$0x10] =	wrdreg s26;
	s28 =	smax.u32 s2, $0x1  }
0x1b: {  	v2 =	vlaneseq.u32;
	s25 =	simm.s32 $0x8800;
	s26 =	simm.s32 $0x9000;
	s0 =	sadd.s32 s5, s0  }
0x1c: {  	vm0 =	vmmov $0xffff;
	v1 =	vshrl.u32 v2, $0x3;
	v0 =	vand.u32 $0x7, v2;
	s18 =	simm.s32 $0xE000;
	s22 =	sadd.s32 s5, s7;
	[dreg:$0xb] =	wrdreg s0  }
0x1d: {  	v2 =	vor.u32 $0x8, v2;
	v1 =	vmul.u32 $0x8, v1;
	vm1 =	vmmov @!p0 $0xffff;
	s2 =	simm.s32 $0x8;
	s5 =	sadd.s32 $0x100, s1;
	[dreg:$0xd] =	wrdreg s22  }
.LBB2_1:
0x1e: {  	s14 =	rddreg [dreg:$0x4];
	s4 =	simm.s32 $0xE  }
0x1f: {  	[tilespmem:s3], [sflag:$0xE] =	stream.linear.gather [hbm4b:s14+s3], $0x680, $0x38;
	[tilespmem:$0x1D000] =	vst v63  }
0x20: {  	_ =	swait.ge [sflag:s4], $0x680  }
0x21: {  	[sflag:s4] =	ssyncset.done $0x0  }
0x22: {  	[sflag:s4] =	ssyncadd.s32 $0xFFFFF980  }
0x23: {  	v3 =	vld [tilespmem:$0x0];
	_ =	sdelay $0x4  }
0x24: {  	v4 =	vshrl.u32 v3, $0x3  }
0x25: {  	v4 =	vmul.u32 $0x30, v4  }
0x26: {  	v3 =	vand.u32 $0x7, v3  }
0x27: {  	v3 =	vor.u32 v3, v4  }
0x28: {  	v4 =	vperm.xlane v3, v0;
	_ =	sdelay $0x1  }
0x29: {  	v4 =	vadd.s32 v1, v4;
	_ =	sdelay $0x3  }
0x2a: {  	s0 =	simm.s32 $0x800;
	v3 =	vperm.xlane v3, v2  }
0x2b: {  	[tilespmem:s0], [sflag:$0x1] =	stream.indirect_vreg.gather [hbm4b:s1+s3], $0x80, v4, vm0, $0xb8;
	[tilespmem:$0x1D000] =	vst v63  }
0x2c: {  	s14 =	simm.s32 $0x1000;
	v3 =	vadd.s32 v1, v3  }
0x2d: {  	[tilespmem:s14], [sflag:$0x1] =	stream.indirect_vreg.gather [hbm4b:s5+s3], $0x80, v4, vm0, $0xb8;
	[tilespmem:$0x1D000] =	vst v63  }
0x2e: {  	s15 =	simm.s32 $0x1800  }
0x2f: {  	[tilespmem:s15], [sflag:$0x1] =	stream.indirect_vreg.gather [hbm4b:s6+s3], $0x80, v4, vm0, $0xb8;
	[tilespmem:$0x1D000] =	vst v63  }
0x30: {  	s16 =	simm.s32 $0x2000  }
0x31: {  	[tilespmem:s16], [sflag:$0x1] =	stream.indirect_vreg.gather [hbm4b:s1+s3], $0x80, v3, vm0, $0xb8;
	[tilespmem:$0x1D000] =	vst v63  }
0x32: {  	s17 =	simm.s32 $0x2800  }
0x33: {  	[tilespmem:s17], [sflag:$0x1] =	stream.indirect_vreg.gather [hbm4b:s5+s3], $0x80, v3, vm0, $0xb8;
	[tilespmem:$0x1D000] =	vst v63  }
0x34: {  	s19 =	simm.s32 $0x3000  }
0x35: {  	[tilespmem:s19], [sflag:$0x1] =	stream.indirect_vreg.gather [hbm4b:s6+s3], $0x80, v3, vm0, $0xb8;
	[tilespmem:$0x1D000] =	vst v63  }
0x36: {  	v3 =	vld.msk [tilespmem:$0x10], $0xff;
	_ =	sdelay $0x4  }
0x37: {  	v41 =	vshrl.u32 v3, $0x3  }
0x38: {  	v4 =	vmul.u32 $0x30, v41  }
0x39: {  	v3 =	vand.u32 $0x7, v3  }
0x3a: {  	v3 =	vor.u32 v3, v4  }
0x3b: {  	v3 =	vperm.xlane v3, v0;
	_ =	sdelay $0x1  }
0x3c: {  	v3 =	vadd.s32 v1, v3;
	_ =	sdelay $0x3  }
0x3d: {  	s20 =	simm.s32 $0x3800  }
0x3e: {  	[tilespmem:s20], [sflag:$0x1] =	stream.indirect_vreg.gather [hbm4b:s1+s3], $0x80, v3, vm0, $0xb8;
	[tilespmem:$0x1D000] =	vst v63  }
0x3f: {  	s10 =	simm.s32 $0x4000  }
0x40: {  	[tilespmem:s10], [sflag:$0x1] =	stream.indirect_vreg.gather [hbm4b:s5+s3], $0x80, v3, vm0, $0xb8;
	[tilespmem:$0x1D000] =	vst v63  }
0x41: {  	s9 =	simm.s32 $0x4800  }
0x42: {  	[tilespmem:s9], [sflag:$0x1] =	stream.indirect_vreg.gather [hbm4b:s6+s3], $0x80, v3, vm0, $0xb8;
	[tilespmem:$0x1D000] =	vst v63  }
0x43: {  	v3 =	vld [tilespmem:$0x80];
	_ =	sdelay $0x4  }
0x44: {  	v42 =	vshrl.u32 v3, $0x3  }
0x45: {  	v4 =	vmul.u32 $0x30, v42  }
0x46: {  	v3 =	vand.u32 $0x7, v3  }
0x47: {  	v3 =	vor.u32 v3, v4  }
0x48: {  	v4 =	vperm.xlane v3, v0;
	_ =	sdelay $0x1  }
0x49: {  	v4 =	vadd.s32 v1, v4;
	_ =	sdelay $0x3  }
0x4a: {  	s23 =	simm.s32 $0x5000;
	v3 =	vperm.xlane v3, v2  }
0x4b: {  	[tilespmem:s23], [sflag:$0x2] =	stream.indirect_vreg.gather [hbm4b:s1+s3], $0x80, v4, vm0, $0xb8;
	[tilespmem:$0x1D000] =	vst v63  }
0x4c: {  	s13 =	simm.s32 $0x5800;
	v3 =	vadd.s32 v1, v3  }
0x4d: {  	[tilespmem:s13], [sflag:$0x2] =	stream.indirect_vreg.gather [hbm4b:s5+s3], $0x80, v4, vm0, $0xb8;
	[tilespmem:$0x1D000] =	vst v63  }
0x4e: {  	s23 =	simm.s32 $0x6000  }
0x4f: {  	[tilespmem:s23], [sflag:$0x2] =	stream.indirect_vreg.gather [hbm4b:s6+s3], $0x80, v4, vm0, $0xb8;
	[tilespmem:$0x1D000] =	vst v63  }
0x50: {  	s12 =	simm.s32 $0x6800  }
0x51: {  	[tilespmem:s12], [sflag:$0x2] =	stream.indirect_vreg.gather [hbm4b:s1+s3], $0x80, v3, vm0, $0xb8;
	[tilespmem:$0x1D000] =	vst v63  }
0x52: {  	s21 =	simm.s32 $0x7000  }
0x53: {  	[tilespmem:s21], [sflag:$0x2] =	stream.indirect_vreg.gather [hbm4b:s5+s3], $0x80, v3, vm0, $0xb8;
	[tilespmem:$0x1D000] =	vst v63  }
0x54: {  	s22 =	simm.s32 $0x7800  }
0x55: {  	[tilespmem:s22], [sflag:$0x2] =	stream.indirect_vreg.gather [hbm4b:s6+s3], $0x80, v3, vm0, $0xb8;
	[tilespmem:$0x1D000] =	vst v63  }
0x56: {  	v3 =	vld.msk [tilespmem:$0x90], $0xff;
	_ =	sdelay $0x4  }
0x57: {  	v43 =	vshrl.u32 v3, $0x3  }
0x58: {  	v4 =	vmul.u32 $0x30, v43  }
0x59: {  	v3 =	vand.u32 $0x7, v3  }
0x5a: {  	v3 =	vor.u32 v3, v4  }
0x5b: {  	v3 =	vperm.xlane v3, v0;
	_ =	sdelay $0x1  }
0x5c: {  	v3 =	vadd.s32 v1, v3;
	_ =	sdelay $0x4  }
0x5d: {  	[tilespmem:s24], [sflag:$0x2] =	stream.indirect_vreg.gather [hbm4b:s1+s3], $0x80, v3, vm0, $0xb8;
	[tilespmem:$0x1D000] =	vst v63  }
0x5e: {  	_ = 	snop  }
0x5f: {  	[tilespmem:s25], [sflag:$0x2] =	stream.indirect_vreg.gather [hbm4b:s5+s3], $0x80, v3, vm0, $0xb8;
	[tilespmem:$0x1D000] =	vst v63  }
0x60: {  	_ = 	snop  }
0x61: {  	[tilespmem:s26], [sflag:$0x2] =	stream.indirect_vreg.gather [hbm4b:s6+s3], $0x80, v3, vm0, $0xb8;
	[tilespmem:$0x1D000] =	vst v63  }
0x62: {  	v3 =	vld [tilespmem:$0x100];
	_ =	sdelay $0x4  }
0x63: {  	v44 =	vshrl.u32 v3, $0x3  }
0x64: {  	v4 =	vmul.u32 $0x30, v44  }
0x65: {  	v3 =	vand.u32 $0x7, v3  }
0x66: {  	v3 =	vor.u32 v3, v4  }
0x67: {  	v4 =	vperm.xlane v3, v0;
	_ =	sdelay $0x1  }
0x68: {  	v4 =	vadd.s32 v1, v4;
	_ =	sdelay $0x3  }
0x69: {  	s4 =	simm.s32 $0x9800;
	v3 =	vperm.xlane v3, v2  }
0x6a: {  	[tilespmem:s4], [sflag:$0x3] =	stream.indirect_vreg.gather [hbm4b:s1+s3], $0x80, v4, vm0, $0xb8;
	[tilespmem:$0x1D000] =	vst v63  }
0x6b: {  	v3 =	vadd.s32 v1, v3  }
0x6c: {  	[tilespmem:s30], [sflag:$0x3] =	stream.indirect_vreg.gather [hbm4b:s5+s3], $0x80, v4, vm0, $0xb8;
	[tilespmem:$0x1D000] =	vst v63  }
0x6d: {  	_ = 	snop  }
0x6e: {  	[tilespmem:s31], [sflag:$0x3] =	stream.indirect_vreg.gather [hbm4b:s6+s3], $0x80, v4, vm0, $0xb8;
	[tilespmem:$0x1D000] =	vst v63  }
0x6f: {  	s7 =	simm.s32 $0xB000  }
0x70: {  	[tilespmem:s7], [sflag:$0x3] =	stream.indirect_vreg.gather [hbm4b:s1+s3], $0x80, v3, vm0, $0xb8;
	[tilespmem:$0x1D000] =	vst v63  }
0x71: {  	_ = 	snop  }
0x72: {  	[tilespmem:s29], [sflag:$0x3] =	stream.indirect_vreg.gather [hbm4b:s5+s3], $0x80, v3, vm0, $0xb8;
	[tilespmem:$0x1D000] =	vst v63  }
0x73: {  	s4 =	simm.s32 $0xC000  }
0x74: {  	[tilespmem:s4], [sflag:$0x3] =	stream.indirect_vreg.gather [hbm4b:s6+s3], $0x80, v3, vm0, $0xb8;
	[tilespmem:$0x1D000] =	vst v63  }
0x75: {  	v3 =	vld.msk [tilespmem:$0x110], $0xff;
	_ =	sdelay $0x4  }
0x76: {  	v45 =	vshrl.u32 v3, $0x3  }
0x77: {  	v4 =	vmul.u32 $0x30, v45  }
0x78: {  	v3 =	vand.u32 $0x7, v3  }
0x79: {  	v3 =	vor.u32 v3, v4  }
0x7a: {  	v3 =	vperm.xlane v3, v0;
	_ =	sdelay $0x1  }
0x7b: {  	v3 =	vadd.s32 v1, v3;
	_ =	sdelay $0x3  }
0x7c: {  	s7 =	simm.s32 $0xC800  }
0x7d: {  	[tilespmem:s7], [sflag:$0x3] =	stream.indirect_vreg.gather [hbm4b:s1+s3], $0x80, v3, vm0, $0xb8;
	[tilespmem:$0x1D000] =	vst v63  }
0x7e: {  	s4 =	simm.s32 $0xD000  }
0x7f: {  	[tilespmem:s4], [sflag:$0x3] =	stream.indirect_vreg.gather [hbm4b:s5+s3], $0x80, v3, vm0, $0xb8;
	[tilespmem:$0x1D000] =	vst v63  }
0x80: {  	s7 =	simm.s32 $0xD800  }
0x81: {  	[tilespmem:s7], [sflag:$0x3] =	stream.indirect_vreg.gather [hbm4b:s6+s3], $0x80, v3, vm0, $0xb8;
	[tilespmem:$0x1D000] =	vst v63  }
0x82: {  	v3 =	vld [tilespmem:$0x180];
	_ =	sdelay $0x4  }
0x83: {  	v46 =	vshrl.u32 v3, $0x3  }
0x84: {  	v4 =	vmul.u32 $0x30, v46  }
0x85: {  	v3 =	vand.u32 $0x7, v3  }
0x86: {  	v3 =	vor.u32 v3, v4  }
0x87: {  	v4 =	vperm.xlane v3, v0;
	_ =	sdelay $0x1  }
0x88: {  	v4 =	vadd.s32 v1, v4;
	_ =	sdelay $0x3  }
0x89: {  	v3 =	vperm.xlane v3, v2  }
0x8a: {  	[tilespmem:s18], [sflag:$0x4] =	stream.indirect_vreg.gather [hbm4b:s1+s3], $0x80, v4, vm0, $0xb8;
	[tilespmem:$0x1D000] =	vst v63  }
0x8b: {  	s4 =	simm.s32 $0xE800;
	v3 =	vadd.s32 v1, v3  }
0x8c: {  	[tilespmem:s4], [sflag:$0x4] =	stream.indirect_vreg.gather [hbm4b:s5+s3], $0x80, v4, vm0, $0xb8;
	[tilespmem:$0x1D000] =	vst v63  }
0x8d: {  	s7 =	simm.s32 $0xF000  }
0x8e: {  	[tilespmem:s7], [sflag:$0x4] =	stream.indirect_vreg.gather [hbm4b:s6+s3], $0x80, v4, vm0, $0xb8;
	[tilespmem:$0x1D000] =	vst v63  }
0x8f: {  	s4 =	simm.s32 $0xF800  }
0x90: {  	[tilespmem:s4], [sflag:$0x4] =	stream.indirect_vreg.gather [hbm4b:s1+s3], $0x80, v3, vm0, $0xb8;
	[tilespmem:$0x1D000] =	vst v63  }
0x91: {  	s7 =	simm.s32 $0x10000  }
0x92: {  	[tilespmem:s7], [sflag:$0x4] =	stream.indirect_vreg.gather [hbm4b:s5+s3], $0x80, v3, vm0, $0xb8;
	[tilespmem:$0x1D000] =	vst v63  }
0x93: {  	s4 =	simm.s32 $0x10800  }
0x94: {  	[tilespmem:s4], [sflag:$0x4] =	stream.indirect_vreg.gather [hbm4b:s6+s3], $0x80, v3, vm0, $0xb8;
	[tilespmem:$0x1D000] =	vst v63  }
0x95: {  	v3 =	vld.msk [tilespmem:$0x190], $0xff;
	_ =	sdelay $0x4  }
0x96: {  	v47 =	vshrl.u32 v3, $0x3  }
0x97: {  	v4 =	vmul.u32 $0x30, v47  }
0x98: {  	v3 =	vand.u32 $0x7, v3  }
0x99: {  	v3 =	vor.u32 v3, v4  }
0x9a: {  	v3 =	vperm.xlane v3, v0;
	_ =	sdelay $0x1  }
0x9b: {  	v3 =	vadd.s32 v1, v3;
	_ =	sdelay $0x3  }
0x9c: {  	s7 =	simm.s32 $0x11000  }
0x9d: {  	[tilespmem:s7], [sflag:$0x4] =	stream.indirect_vreg.gather [hbm4b:s1+s3], $0x80, v3, vm0, $0xb8;
	[tilespmem:$0x1D000] =	vst v63  }
0x9e: {  	s4 =	simm.s32 $0x11800  }
0x9f: {  	[tilespmem:s4], [sflag:$0x4] =	stream.indirect_vreg.gather [hbm4b:s5+s3], $0x80, v3, vm0, $0xb8;
	[tilespmem:$0x1D000] =	vst v63  }
0xa0: {  	s7 =	simm.s32 $0x12000  }
0xa1: {  	[tilespmem:s7], [sflag:$0x4] =	stream.indirect_vreg.gather [hbm4b:s6+s3], $0x80, v3, vm0, $0xb8;
	[tilespmem:$0x1D000] =	vst v63  }
0xa2: {  	v3 =	vld [tilespmem:$0x200];
	_ =	sdelay $0x4  }
0xa3: {  	v48 =	vshrl.u32 v3, $0x3  }
0xa4: {  	v4 =	vmul.u32 $0x30, v48  }
0xa5: {  	v3 =	vand.u32 $0x7, v3  }
0xa6: {  	v3 =	vor.u32 v3, v4  }
0xa7: {  	v4 =	vperm.xlane v3, v0;
	_ =	sdelay $0x1  }
0xa8: {  	v4 =	vadd.s32 v1, v4;
	_ =	sdelay $0x3  }
0xa9: {  	v3 =	vperm.xlane v3, v2  }
0xaa: {  	[tilespmem:s11], [sflag:$0x5] =	stream.indirect_vreg.gather [hbm4b:s1+s3], $0x80, v4, vm0, $0xb8;
	[tilespmem:$0x1D000] =	vst v63  }
0xab: {  	s4 =	simm.s32 $0x13000;
	v3 =	vadd.s32 v1, v3  }
0xac: {  	[tilespmem:s4], [sflag:$0x5] =	stream.indirect_vreg.gather [hbm4b:s5+s3], $0x80, v4, vm0, $0xb8;
	[tilespmem:$0x1D000] =	vst v63  }
0xad: {  	s7 =	simm.s32 $0x13800  }
0xae: {  	[tilespmem:s7], [sflag:$0x5] =	stream.indirect_vreg.gather [hbm4b:s6+s3], $0x80, v4, vm0, $0xb8;
	[tilespmem:$0x1D000] =	vst v63  }
0xaf: {  	s4 =	simm.s32 $0x14000  }
0xb0: {  	[tilespmem:s4], [sflag:$0x5] =	stream.indirect_vreg.gather [hbm4b:s1+s3], $0x80, v3, vm0, $0xb8;
	[tilespmem:$0x1D000] =	vst v63  }
0xb1: {  	s7 =	simm.s32 $0x14800  }
0xb2: {  	[tilespmem:s7], [sflag:$0x5] =	stream.indirect_vreg.gather [hbm4b:s5+s3], $0x80, v3, vm0, $0xb8;
	[tilespmem:$0x1D000] =	vst v63  }
0xb3: {  	s4 =	simm.s32 $0x15000  }
0xb4: {  	[tilespmem:s4], [sflag:$0x5] =	stream.indirect_vreg.gather [hbm4b:s6+s3], $0x80, v3, vm0, $0xb8;
	[tilespmem:$0x1D000] =	vst v63  }
0xb5: {  	v3 =	vld.msk [tilespmem:$0x210], $0xff;
	_ =	sdelay $0x4  }
0xb6: {  	v49 =	vshrl.u32 v3, $0x3  }
0xb7: {  	v4 =	vmul.u32 $0x30, v49  }
0xb8: {  	v3 =	vand.u32 $0x7, v3  }
0xb9: {  	v3 =	vor.u32 v3, v4  }
0xba: {  	v3 =	vperm.xlane v3, v0;
	_ =	sdelay $0x1  }
0xbb: {  	v3 =	vadd.s32 v1, v3;
	_ =	sdelay $0x3  }
0xbc: {  	s7 =	simm.s32 $0x15800  }
0xbd: {  	[tilespmem:s7], [sflag:$0x5] =	stream.indirect_vreg.gather [hbm4b:s1+s3], $0x80, v3, vm0, $0xb8;
	[tilespmem:$0x1D000] =	vst v63  }
0xbe: {  	s4 =	simm.s32 $0x16000  }
0xbf: {  	[tilespmem:s4], [sflag:$0x5] =	stream.indirect_vreg.gather [hbm4b:s5+s3], $0x80, v3, vm0, $0xb8;
	[tilespmem:$0x1D000] =	vst v63  }
0xc0: {  	s7 =	simm.s32 $0x16800  }
0xc1: {  	[tilespmem:s7], [sflag:$0x5] =	stream.indirect_vreg.gather [hbm4b:s6+s3], $0x80, v3, vm0, $0xb8;
	[tilespmem:$0x1D000] =	vst v63  }
0xc2: {  	v3 =	vld [tilespmem:$0x280];
	_ =	sdelay $0x4  }
0xc3: {  	v50 =	vshrl.u32 v3, $0x3  }
0xc4: {  	v4 =	vmul.u32 $0x30, v50  }
0xc5: {  	v3 =	vand.u32 $0x7, v3  }
0xc6: {  	v3 =	vor.u32 v3, v4  }
0xc7: {  	v4 =	vperm.xlane v3, v0;
	_ =	sdelay $0x1  }
0xc8: {  	v4 =	vadd.s32 v1, v4;
	_ =	sdelay $0x3  }
0xc9: {  	v3 =	vperm.xlane v3, v2  }
0xca: {  	[tilespmem:s8], [sflag:$0x6] =	stream.indirect_vreg.gather [hbm4b:s1+s3], $0x80, v4, vm0, $0xb8;
	[tilespmem:$0x1D000] =	vst v63  }
0xcb: {  	s4 =	simm.s32 $0x17800;
	v3 =	vadd.s32 v1, v3  }
0xcc: {  	[tilespmem:s4], [sflag:$0x6] =	stream.indirect_vreg.gather [hbm4b:s5+s3], $0x80, v4, vm0, $0xb8;
	[tilespmem:$0x1D000] =	vst v63  }
0xcd: {  	s7 =	simm.s32 $0x18000  }
0xce: {  	[tilespmem:s7], [sflag:$0x6] =	stream.indirect_vreg.gather [hbm4b:s6+s3], $0x80, v4, vm0, $0xb8;
	[tilespmem:$0x1D000] =	vst v63  }
0xcf: {  	s4 =	simm.s32 $0x18800  }
0xd0: {  	[tilespmem:s4], [sflag:$0x6] =	stream.indirect_vreg.gather [hbm4b:s1+s3], $0x80, v3, vm0, $0xb8;
	[tilespmem:$0x1D000] =	vst v63  }
0xd1: {  	s7 =	simm.s32 $0x19000  }
0xd2: {  	[tilespmem:s7], [sflag:$0x6] =	stream.indirect_vreg.gather [hbm4b:s5+s3], $0x80, v3, vm0, $0xb8;
	[tilespmem:$0x1D000] =	vst v63  }
0xd3: {  	s4 =	simm.s32 $0x19800  }
0xd4: {  	[tilespmem:s4], [sflag:$0x6] =	stream.indirect_vreg.gather [hbm4b:s6+s3], $0x80, v3, vm0, $0xb8;
	[tilespmem:$0x1D000] =	vst v63  }
0xd5: {  	v3 =	vld.msk [tilespmem:$0x290], $0xff;
	_ =	sdelay $0x4  }
0xd6: {  	v51 =	vshrl.u32 v3, $0x3  }
0xd7: {  	v4 =	vmul.u32 $0x30, v51  }
0xd8: {  	v3 =	vand.u32 $0x7, v3  }
0xd9: {  	v3 =	vor.u32 v3, v4  }
0xda: {  	v3 =	vperm.xlane v3, v0;
	_ =	sdelay $0x1  }
0xdb: {  	v3 =	vadd.s32 v1, v3;
	_ =	sdelay $0x3  }
0xdc: {  	s7 =	simm.s32 $0x1A000  }
0xdd: {  	[tilespmem:s7], [sflag:$0x6] =	stream.indirect_vreg.gather [hbm4b:s1+s3], $0x80, v3, vm0, $0xb8;
	[tilespmem:$0x1D000] =	vst v63  }
0xde: {  	s4 =	simm.s32 $0x1A800  }
0xdf: {  	[tilespmem:s4], [sflag:$0x6] =	stream.indirect_vreg.gather [hbm4b:s5+s3], $0x80, v3, vm0, $0xb8;
	[tilespmem:$0x1D000] =	vst v63  }
0xe0: {  	s0 =	simm.s32 $0x1;
	s7 =	simm.s32 $0x1B000  }
0xe1: {  	[tilespmem:s7], [sflag:$0x6] =	stream.indirect_vreg.gather [hbm4b:s6+s3], $0x80, v3, vm0, $0xb8;
	[tilespmem:$0x1D000] =	vst v63  }
0xe2: {  	_ =	swait.ge [sflag:s0], $0x4800  }
0xe3: {  	[sflag:s0] =	ssyncset.done $0x0  }
0xe4: {  	s7 =	simm.s32 $0x800;
	s4 =	rddreg [dreg:$0x11];
	[sflag:s0] =	ssyncadd.s32 $0xFFFFB800  }
0xe5: {  	[hbm4b:s4+s3] =	stream.linear.scatter [tilespmem:s7], [sflag:$0x8], $0x4800, $0x38;
	[tilespmem:$0x1D000] =	vst v63  }
0xe6: {  	_ =	swait.ge [sflag:s2], $0x4800  }
0xe7: {  	[sflag:s2] =	ssyncset.done $0x0  }
0xe8: {  	[sflag:s2] =	ssyncadd.s32 $0xFFFFB800  }
0xe9: {  	v3 =	vld [tilespmem:$0x300];
	_ =	sdelay $0x4  }
0xea: {  	v52 =	vshrl.u32 v3, $0x3  }
0xeb: {  	v4 =	vmul.u32 $0x30, v52  }
0xec: {  	v3 =	vand.u32 $0x7, v3  }
0xed: {  	v3 =	vor.u32 v3, v4  }
0xee: {  	v4 =	vperm.xlane v3, v0;
	_ =	sdelay $0x1  }
0xef: {  	v4 =	vadd.s32 v1, v4;
	_ =	sdelay $0x3  }
0xf0: {  	v3 =	vperm.xlane v3, v2  }
0xf1: {  	[tilespmem:s7], [sflag:$0x1] =	stream.indirect_vreg.gather [hbm4b:s1+s3], $0x80, v4, vm0, $0xb8;
	[tilespmem:$0x1D000] =	vst v63  }
0xf2: {  	v3 =	vadd.s32 v1, v3  }
0xf3: {  	[tilespmem:s14], [sflag:$0x1] =	stream.indirect_vreg.gather [hbm4b:s5+s3], $0x80, v4, vm0, $0xb8;
	[tilespmem:$0x1D000] =	vst v63  }
0xf4: {  	_ = 	snop  }
0xf5: {  	[tilespmem:s15], [sflag:$0x1] =	stream.indirect_vreg.gather [hbm4b:s6+s3], $0x80, v4, vm0, $0xb8;
	[tilespmem:$0x1D000] =	vst v63  }
0xf6: {  	_ = 	snop  }
0xf7: {  	[tilespmem:s16], [sflag:$0x1] =	stream.indirect_vreg.gather [hbm4b:s1+s3], $0x80, v3, vm0, $0xb8;
	[tilespmem:$0x1D000] =	vst v63  }
0xf8: {  	_ = 	snop  }
0xf9: {  	[tilespmem:s17], [sflag:$0x1] =	stream.indirect_vreg.gather [hbm4b:s5+s3], $0x80, v3, vm0, $0xb8;
	[tilespmem:$0x1D000] =	vst v63  }
0xfa: {  	_ = 	snop  }
0xfb: {  	[tilespmem:s19], [sflag:$0x1] =	stream.indirect_vreg.gather [hbm4b:s6+s3], $0x80, v3, vm0, $0xb8;
	[tilespmem:$0x1D000] =	vst v63  }
0xfc: {  	v3 =	vld.msk [tilespmem:$0x310], $0xff;
	_ =	sdelay $0x4  }
0xfd: {  	v53 =	vshrl.u32 v3, $0x3  }
0xfe: {  	v4 =	vmul.u32 $0x30, v53  }
0xff: {  	v3 =	vand.u32 $0x7, v3  }
0x100: {  	v3 =	vor.u32 v3, v4  }
0x101: {  	v3 =	vperm.xlane v3, v0;
	_ =	sdelay $0x1  }
0x102: {  	v3 =	vadd.s32 v1, v3;
	_ =	sdelay $0x4  }
0x103: {  	[tilespmem:s20], [sflag:$0x1] =	stream.indirect_vreg.gather [hbm4b:s1+s3], $0x80, v3, vm0, $0xb8;
	[tilespmem:$0x1D000] =	vst v63  }
0x104: {  	_ = 	snop  }
0x105: {  	[tilespmem:s10], [sflag:$0x1] =	stream.indirect_vreg.gather [hbm4b:s5+s3], $0x80, v3, vm0, $0xb8;
	[tilespmem:$0x1D000] =	vst v63  }
0x106: {  	_ = 	snop  }
0x107: {  	[tilespmem:s9], [sflag:$0x1] =	stream.indirect_vreg.gather [hbm4b:s6+s3], $0x80, v3, vm0, $0xb8;
	[tilespmem:$0x1D000] =	vst v63  }
0x108: {  	s9 =	simm.s32 $0x2  }
0x109: {  	_ =	swait.ge [sflag:s9], $0x4800  }
0x10a: {  	s16 =	simm.s32 $0x5000;
	[sflag:s9] =	ssyncset.done $0x0  }
0x10b: {  	s10 =	simm.s32 $0x9;
	s15 =	rddreg [dreg:$0x5];
	[sflag:s9] =	ssyncadd.s32 $0xFFFFB800  }
0x10c: {  	[hbm4b:s15+s3] =	stream.linear.scatter [tilespmem:s16], [sflag:$0x9], $0x4800, $0x38;
	[tilespmem:$0x1D000] =	vst v63  }
0x10d: {  	_ =	swait.ge [sflag:s10], $0x4800  }
0x10e: {  	[sflag:s10] =	ssyncset.done $0x0  }
0x10f: {  	[sflag:s10] =	ssyncadd.s32 $0xFFFFB800  }
0x110: {  	v3 =	vld [tilespmem:$0x380];
	_ =	sdelay $0x4  }
0x111: {  	v54 =	vshrl.u32 v3, $0x3  }
0x112: {  	v4 =	vmul.u32 $0x30, v54  }
0x113: {  	v3 =	vand.u32 $0x7, v3  }
0x114: {  	v3 =	vor.u32 v3, v4  }
0x115: {  	v4 =	vperm.xlane v3, v0;
	_ =	sdelay $0x1  }
0x116: {  	v4 =	vadd.s32 v1, v4;
	_ =	sdelay $0x3  }
0x117: {  	v3 =	vperm.xlane v3, v2  }
0x118: {  	[tilespmem:s16], [sflag:$0x2] =	stream.indirect_vreg.gather [hbm4b:s1+s3], $0x80, v4, vm0, $0xb8;
	[tilespmem:$0x1D000] =	vst v63  }
0x119: {  	v3 =	vadd.s32 v1, v3  }
0x11a: {  	[tilespmem:s13], [sflag:$0x2] =	stream.indirect_vreg.gather [hbm4b:s5+s3], $0x80, v4, vm0, $0xb8;
	[tilespmem:$0x1D000] =	vst v63  }
0x11b: {  	_ = 	snop  }
0x11c: {  	[tilespmem:s23], [sflag:$0x2] =	stream.indirect_vreg.gather [hbm4b:s6+s3], $0x80, v4, vm0, $0xb8;
	[tilespmem:$0x1D000] =	vst v63  }
0x11d: {  	_ = 	snop  }
0x11e: {  	[tilespmem:s12], [sflag:$0x2] =	stream.indirect_vreg.gather [hbm4b:s1+s3], $0x80, v3, vm0, $0xb8;
	[tilespmem:$0x1D000] =	vst v63  }
0x11f: {  	_ = 	snop  }
0x120: {  	[tilespmem:s21], [sflag:$0x2] =	stream.indirect_vreg.gather [hbm4b:s5+s3], $0x80, v3, vm0, $0xb8;
	[tilespmem:$0x1D000] =	vst v63  }
0x121: {  	_ = 	snop  }
0x122: {  	[tilespmem:s22], [sflag:$0x2] =	stream.indirect_vreg.gather [hbm4b:s6+s3], $0x80, v3, vm0, $0xb8;
	[tilespmem:$0x1D000] =	vst v63  }
0x123: {  	v3 =	vld.msk [tilespmem:$0x390], $0xff;
	_ =	sdelay $0x4  }
0x124: {  	v55 =	vshrl.u32 v3, $0x3  }
0x125: {  	v4 =	vmul.u32 $0x30, v55  }
0x126: {  	v3 =	vand.u32 $0x7, v3  }
0x127: {  	v3 =	vor.u32 v3, v4  }
0x128: {  	v3 =	vperm.xlane v3, v0;
	_ =	sdelay $0x1  }
0x129: {  	v3 =	vadd.s32 v1, v3;
	_ =	sdelay $0x4  }
0x12a: {  	[tilespmem:s24], [sflag:$0x2] =	stream.indirect_vreg.gather [hbm4b:s1+s3], $0x80, v3, vm0, $0xb8;
	[tilespmem:$0x1D000] =	vst v63  }
0x12b: {  	_ = 	snop  }
0x12c: {  	[tilespmem:s25], [sflag:$0x2] =	stream.indirect_vreg.gather [hbm4b:s5+s3], $0x80, v3, vm0, $0xb8;
	[tilespmem:$0x1D000] =	vst v63  }
0x12d: {  	s12 =	simm.s32 $0x3  }
0x12e: {  	[tilespmem:s26], [sflag:$0x2] =	stream.indirect_vreg.gather [hbm4b:s6+s3], $0x80, v3, vm0, $0xb8;
	[tilespmem:$0x1D000] =	vst v63  }
0x12f: {  	_ =	swait.ge [sflag:s12], $0x4800  }
0x130: {  	s19 =	simm.s32 $0x9800;
	[sflag:s12] =	ssyncset.done $0x0  }
0x131: {  	s13 =	simm.s32 $0xA;
	s17 =	rddreg [dreg:$0x6];
	[sflag:s12] =	ssyncadd.s32 $0xFFFFB800  }
0x132: {  	[hbm4b:s17+s3] =	stream.linear.scatter [tilespmem:s19], [sflag:$0xA], $0x4800, $0x38;
	[tilespmem:$0x1D000] =	vst v63  }
0x133: {  	_ =	swait.ge [sflag:s13], $0x4800  }
0x134: {  	[sflag:s13] =	ssyncset.done $0x0  }
0x135: {  	[sflag:s13] =	ssyncadd.s32 $0xFFFFB800  }
0x136: {  	v3 =	vld [tilespmem:$0x400];
	_ =	sdelay $0x4  }
0x137: {  	v56 =	vshrl.u32 v3, $0x3  }
0x138: {  	v4 =	vmul.u32 $0x30, v56  }
0x139: {  	v3 =	vand.u32 $0x7, v3  }
0x13a: {  	v3 =	vor.u32 v3, v4  }
0x13b: {  	v4 =	vperm.xlane v3, v0;
	_ =	sdelay $0x1  }
0x13c: {  	v4 =	vadd.s32 v1, v4;
	_ =	sdelay $0x3  }
0x13d: {  	v3 =	vperm.xlane v3, v2  }
0x13e: {  	[tilespmem:s19], [sflag:$0x3] =	stream.indirect_vreg.gather [hbm4b:s1+s3], $0x80, v4, vm0, $0xb8;
	[tilespmem:$0x1D000] =	vst v63  }
0x13f: {  	v3 =	vadd.s32 v1, v3  }
0x140: {  	[tilespmem:s30], [sflag:$0x3] =	stream.indirect_vreg.gather [hbm4b:s5+s3], $0x80, v4, vm0, $0xb8;
	[tilespmem:$0x1D000] =	vst v63  }
0x141: {  	_ = 	snop  }
0x142: {  	[tilespmem:s31], [sflag:$0x3] =	stream.indirect_vreg.gather [hbm4b:s6+s3], $0x80, v4, vm0, $0xb8;
	[tilespmem:$0x1D000] =	vst v63  }
0x143: {  	s20 =	simm.s32 $0xB000  }
0x144: {  	[tilespmem:s20], [sflag:$0x3] =	stream.indirect_vreg.gather [hbm4b:s1+s3], $0x80, v3, vm0, $0xb8;
	[tilespmem:$0x1D000] =	vst v63  }
0x145: {  	_ = 	snop  }
0x146: {  	[tilespmem:s29], [sflag:$0x3] =	stream.indirect_vreg.gather [hbm4b:s5+s3], $0x80, v3, vm0, $0xb8;
	[tilespmem:$0x1D000] =	vst v63  }
0x147: {  	s21 =	simm.s32 $0xC000  }
0x148: {  	[tilespmem:s21], [sflag:$0x3] =	stream.indirect_vreg.gather [hbm4b:s6+s3], $0x80, v3, vm0, $0xb8;
	[tilespmem:$0x1D000] =	vst v63  }
0x149: {  	v3 =	vld.msk [tilespmem:$0x410], $0xff;
	_ =	sdelay $0x4  }
0x14a: {  	v57 =	vshrl.u32 v3, $0x3  }
0x14b: {  	v4 =	vmul.u32 $0x30, v57  }
0x14c: {  	v3 =	vand.u32 $0x7, v3  }
0x14d: {  	v3 =	vor.u32 v3, v4  }
0x14e: {  	v3 =	vperm.xlane v3, v0;
	_ =	sdelay $0x1  }
0x14f: {  	v3 =	vadd.s32 v1, v3;
	_ =	sdelay $0x3  }
0x150: {  	s22 =	simm.s32 $0xC800  }
0x151: {  	[tilespmem:s22], [sflag:$0x3] =	stream.indirect_vreg.gather [hbm4b:s1+s3], $0x80, v3, vm0, $0xb8;
	[tilespmem:$0x1D000] =	vst v63  }
0x152: {  	s15 =	simm.s32 $0xD000  }
0x153: {  	[tilespmem:s15], [sflag:$0x3] =	stream.indirect_vreg.gather [hbm4b:s5+s3], $0x80, v3, vm0, $0xb8;
	[tilespmem:$0x1D000] =	vst v63  }
0x154: {  	s16 =	simm.s32 $0xD800  }
0x155: {  	[tilespmem:s16], [sflag:$0x3] =	stream.indirect_vreg.gather [hbm4b:s6+s3], $0x80, v3, vm0, $0xb8;
	[tilespmem:$0x1D000] =	vst v63  }
0x156: {  	s16 =	simm.s32 $0x4  }
0x157: {  	_ =	swait.ge [sflag:s16], $0x4800  }
0x158: {  	[sflag:s16] =	ssyncset.done $0x0  }
0x159: {  	s17 =	rddreg [dreg:$0x7];
	[sflag:s16] =	ssyncadd.s32 $0xFFFFB800  }
0x15a: {  	[hbm4b:s17+s3] =	stream.linear.scatter [tilespmem:s18], [sflag:$0xB], $0x4800, $0x38;
	[tilespmem:$0x1D000] =	vst v63  }
0x15b: {  	s17 =	simm.s32 $0xB  }
0x15c: {  	_ =	swait.ge [sflag:s17], $0x4800  }
0x15d: {  	[sflag:s17] =	ssyncset.done $0x0  }
0x15e: {  	[sflag:s17] =	ssyncadd.s32 $0xFFFFB800  }
0x15f: {  	v3 =	vld [tilespmem:$0x480];
	_ =	sdelay $0x4  }
0x160: {  	v58 =	vshrl.u32 v3, $0x3  }
0x161: {  	v4 =	vmul.u32 $0x30, v58  }
0x162: {  	v3 =	vand.u32 $0x7, v3  }
0x163: {  	v3 =	vor.u32 v3, v4  }
0x164: {  	v4 =	vperm.xlane v3, v0;
	_ =	sdelay $0x1  }
0x165: {  	v4 =	vadd.s32 v1, v4;
	_ =	sdelay $0x3  }
0x166: {  	v3 =	vperm.xlane v3, v2  }
0x167: {  	[tilespmem:s18], [sflag:$0x4] =	stream.indirect_vreg.gather [hbm4b:s1+s3], $0x80, v4, vm0, $0xb8;
	[tilespmem:$0x1D000] =	vst v63  }
0x168: {  	s19 =	simm.s32 $0xE800;
	v3 =	vadd.s32 v1, v3  }
0x169: {  	[tilespmem:s19], [sflag:$0x4] =	stream.indirect_vreg.gather [hbm4b:s5+s3], $0x80, v4, vm0, $0xb8;
	[tilespmem:$0x1D000] =	vst v63  }
0x16a: {  	s20 =	simm.s32 $0xF000  }
0x16b: {  	[tilespmem:s20], [sflag:$0x4] =	stream.indirect_vreg.gather [hbm4b:s6+s3], $0x80, v4, vm0, $0xb8;
	[tilespmem:$0x1D000] =	vst v63  }
0x16c: {  	s21 =	simm.s32 $0xF800  }
0x16d: {  	[tilespmem:s21], [sflag:$0x4] =	stream.indirect_vreg.gather [hbm4b:s1+s3], $0x80, v3, vm0, $0xb8;
	[tilespmem:$0x1D000] =	vst v63  }
0x16e: {  	s22 =	simm.s32 $0x10000  }
0x16f: {  	[tilespmem:s22], [sflag:$0x4] =	stream.indirect_vreg.gather [hbm4b:s5+s3], $0x80, v3, vm0, $0xb8;
	[tilespmem:$0x1D000] =	vst v63  }
0x170: {  	s15 =	simm.s32 $0x10800  }
0x171: {  	[tilespmem:s15], [sflag:$0x4] =	stream.indirect_vreg.gather [hbm4b:s6+s3], $0x80, v3, vm0, $0xb8;
	[tilespmem:$0x1D000] =	vst v63  }
0x172: {  	v3 =	vld.msk [tilespmem:$0x490], $0xff;
	_ =	sdelay $0x4  }
0x173: {  	v59 =	vshrl.u32 v3, $0x3  }
0x174: {  	v4 =	vmul.u32 $0x30, v59  }
0x175: {  	v3 =	vand.u32 $0x7, v3  }
0x176: {  	v3 =	vor.u32 v3, v4  }
0x177: {  	v3 =	vperm.xlane v3, v0;
	_ =	sdelay $0x1  }
0x178: {  	v3 =	vadd.s32 v1, v3;
	_ =	sdelay $0x3  }
0x179: {  	s19 =	simm.s32 $0x11000  }
0x17a: {  	[tilespmem:s19], [sflag:$0x4] =	stream.indirect_vreg.gather [hbm4b:s1+s3], $0x80, v3, vm0, $0xb8;
	[tilespmem:$0x1D000] =	vst v63  }
0x17b: {  	s20 =	simm.s32 $0x11800  }
0x17c: {  	[tilespmem:s20], [sflag:$0x4] =	stream.indirect_vreg.gather [hbm4b:s5+s3], $0x80, v3, vm0, $0xb8;
	[tilespmem:$0x1D000] =	vst v63  }
0x17d: {  	s21 =	simm.s32 $0x12000;
	s19 =	simm.s32 $0x5  }
0x17e: {  	[tilespmem:s21], [sflag:$0x4] =	stream.indirect_vreg.gather [hbm4b:s6+s3], $0x80, v3, vm0, $0xb8;
	[tilespmem:$0x1D000] =	vst v63  }
0x17f: {  	_ =	swait.ge [sflag:s19], $0x4800  }
0x180: {  	[sflag:s19] =	ssyncset.done $0x0  }
0x181: {  	s20 =	simm.s32 $0xC;
	s22 =	rddreg [dreg:$0x8];
	[sflag:s19] =	ssyncadd.s32 $0xFFFFB800  }
0x182: {  	[hbm4b:s22+s3] =	stream.linear.scatter [tilespmem:s11], [sflag:$0xC], $0x4800, $0x38;
	[tilespmem:$0x1D000] =	vst v63  }
0x183: {  	_ =	swait.ge [sflag:s20], $0x4800  }
0x184: {  	[sflag:s20] =	ssyncset.done $0x0  }
0x185: {  	[sflag:s20] =	ssyncadd.s32 $0xFFFFB800  }
0x186: {  	v3 =	vld [tilespmem:$0x500];
	_ =	sdelay $0x4  }
0x187: {  	v60 =	vshrl.u32 v3, $0x3  }
0x188: {  	v4 =	vmul.u32 $0x30, v60  }
0x189: {  	v3 =	vand.u32 $0x7, v3  }
0x18a: {  	v3 =	vor.u32 v3, v4  }
0x18b: {  	v4 =	vperm.xlane v3, v0;
	_ =	sdelay $0x1  }
0x18c: {  	v4 =	vadd.s32 v1, v4;
	_ =	sdelay $0x3  }
0x18d: {  	v3 =	vperm.xlane v3, v2  }
0x18e: {  	[tilespmem:s11], [sflag:$0x5] =	stream.indirect_vreg.gather [hbm4b:s1+s3], $0x80, v4, vm0, $0xb8;
	[tilespmem:$0x1D000] =	vst v63  }
0x18f: {  	s15 =	simm.s32 $0x13000;
	v3 =	vadd.s32 v1, v3  }
0x190: {  	[tilespmem:s15], [sflag:$0x5] =	stream.indirect_vreg.gather [hbm4b:s5+s3], $0x80, v4, vm0, $0xb8;
	[tilespmem:$0x1D000] =	vst v63  }
0x191: {  	s21 =	simm.s32 $0x13800  }
0x192: {  	[tilespmem:s21], [sflag:$0x5] =	stream.indirect_vreg.gather [hbm4b:s6+s3], $0x80, v4, vm0, $0xb8;
	[tilespmem:$0x1D000] =	vst v63  }
0x193: {  	s22 =	simm.s32 $0x14000  }
0x194: {  	[tilespmem:s22], [sflag:$0x5] =	stream.indirect_vreg.gather [hbm4b:s1+s3], $0x80, v3, vm0, $0xb8;
	[tilespmem:$0x1D000] =	vst v63  }
0x195: {  	s15 =	simm.s32 $0x14800  }
0x196: {  	[tilespmem:s15], [sflag:$0x5] =	stream.indirect_vreg.gather [hbm4b:s5+s3], $0x80, v3, vm0, $0xb8;
	[tilespmem:$0x1D000] =	vst v63  }
0x197: {  	s21 =	simm.s32 $0x15000  }
0x198: {  	[tilespmem:s21], [sflag:$0x5] =	stream.indirect_vreg.gather [hbm4b:s6+s3], $0x80, v3, vm0, $0xb8;
	[tilespmem:$0x1D000] =	vst v63  }
0x199: {  	v3 =	vld.msk [tilespmem:$0x510], $0xff;
	_ =	sdelay $0x4  }
0x19a: {  	v61 =	vshrl.u32 v3, $0x3  }
0x19b: {  	v4 =	vmul.u32 $0x30, v61  }
0x19c: {  	v3 =	vand.u32 $0x7, v3  }
0x19d: {  	v3 =	vor.u32 v3, v4  }
0x19e: {  	v3 =	vperm.xlane v3, v0;
	_ =	sdelay $0x1  }
0x19f: {  	v3 =	vadd.s32 v1, v3;
	_ =	sdelay $0x3  }
0x1a0: {  	s22 =	simm.s32 $0x15800  }
0x1a1: {  	[tilespmem:s22], [sflag:$0x5] =	stream.indirect_vreg.gather [hbm4b:s1+s3], $0x80, v3, vm0, $0xb8;
	[tilespmem:$0x1D000] =	vst v63  }
0x1a2: {  	s15 =	simm.s32 $0x16000  }
0x1a3: {  	[tilespmem:s15], [sflag:$0x5] =	stream.indirect_vreg.gather [hbm4b:s5+s3], $0x80, v3, vm0, $0xb8;
	[tilespmem:$0x1D000] =	vst v63  }
0x1a4: {  	s21 =	simm.s32 $0x16800  }
0x1a5: {  	[tilespmem:s21], [sflag:$0x5] =	stream.indirect_vreg.gather [hbm4b:s6+s3], $0x80, v3, vm0, $0xb8;
	[tilespmem:$0x1D000] =	vst v63  }
0x1a6: {  	s21 =	simm.s32 $0x6  }
0x1a7: {  	_ =	swait.ge [sflag:s21], $0x4800  }
0x1a8: {  	[sflag:s21] =	ssyncset.done $0x0  }
0x1a9: {  	s22 =	rddreg [dreg:$0x9];
	[sflag:s21] =	ssyncadd.s32 $0xFFFFB800  }
0x1aa: {  	[hbm4b:s22+s3] =	stream.linear.scatter [tilespmem:s8], [sflag:$0xD], $0x4800, $0x38;
	[tilespmem:$0x1D000] =	vst v63  }
0x1ab: {  	s22 =	simm.s32 $0xD  }
0x1ac: {  	_ =	swait.ge [sflag:s22], $0x4800  }
0x1ad: {  	[sflag:s22] =	ssyncset.done $0x0  }
0x1ae: {  	[sflag:s22] =	ssyncadd.s32 $0xFFFFB800  }
0x1af: {  	v3 =	vld [tilespmem:$0x580];
	_ =	sdelay $0x4  }
0x1b0: {  	v62 =	vshrl.u32 v3, $0x3  }
0x1b1: {  	v4 =	vmul.u32 $0x30, v62  }
0x1b2: {  	v3 =	vand.u32 $0x7, v3  }
0x1b3: {  	v3 =	vor.u32 v3, v4  }
0x1b4: {  	v4 =	vperm.xlane v3, v0;
	_ =	sdelay $0x1  }
0x1b5: {  	v4 =	vadd.s32 v1, v4;
	_ =	sdelay $0x3  }
0x1b6: {  	v3 =	vperm.xlane v3, v2  }
0x1b7: {  	[tilespmem:s8], [sflag:$0x6] =	stream.indirect_vreg.gather [hbm4b:s1+s3], $0x80, v4, vm0, $0xb8;
	[tilespmem:$0x1D000] =	vst v63  }
0x1b8: {  	s15 =	simm.s32 $0x17800;
	v3 =	vadd.s32 v1, v3  }
0x1b9: {  	[tilespmem:s15], [sflag:$0x6] =	stream.indirect_vreg.gather [hbm4b:s5+s3], $0x80, v4, vm0, $0xb8;
	[tilespmem:$0x1D000] =	vst v63  }
0x1ba: {  	s15 =	simm.s32 $0x18000  }
0x1bb: {  	[tilespmem:s15], [sflag:$0x6] =	stream.indirect_vreg.gather [hbm4b:s6+s3], $0x80, v4, vm0, $0xb8;
	[tilespmem:$0x1D000] =	vst v63  }
0x1bc: {  	s15 =	simm.s32 $0x18800  }
0x1bd: {  	[tilespmem:s15], [sflag:$0x6] =	stream.indirect_vreg.gather [hbm4b:s1+s3], $0x80, v3, vm0, $0xb8;
	[tilespmem:$0x1D000] =	vst v63  }
0x1be: {  	s15 =	simm.s32 $0x19000  }
0x1bf: {  	[tilespmem:s15], [sflag:$0x6] =	stream.indirect_vreg.gather [hbm4b:s5+s3], $0x80, v3, vm0, $0xb8;
	[tilespmem:$0x1D000] =	vst v63  }
0x1c0: {  	s15 =	simm.s32 $0x19800  }
0x1c1: {  	[tilespmem:s15], [sflag:$0x6] =	stream.indirect_vreg.gather [hbm4b:s6+s3], $0x80, v3, vm0, $0xb8;
	[tilespmem:$0x1D000] =	vst v63  }
0x1c2: {  	v3 =	vld.msk [tilespmem:$0x590], $0xff;
	_ =	sdelay $0x4  }
0x1c3: {  	v63 =	vshrl.u32 v3, $0x3  }
0x1c4: {  	v4 =	vmul.u32 $0x30, v63  }
0x1c5: {  	v3 =	vand.u32 $0x7, v3  }
0x1c6: {  	v3 =	vor.u32 v3, v4  }
0x1c7: {  	v3 =	vperm.xlane v3, v0;
	_ =	sdelay $0x1  }
0x1c8: {  	v3 =	vadd.s32 v1, v3;
	_ =	sdelay $0x3  }
0x1c9: {  	s15 =	simm.s32 $0x1A000  }
0x1ca: {  	[tilespmem:s15], [sflag:$0x6] =	stream.indirect_vreg.gather [hbm4b:s1+s3], $0x80, v3, vm0, $0xb8;
	[tilespmem:$0x1D000] =	vst v63  }
0x1cb: {  	s15 =	simm.s32 $0x1A800  }
0x1cc: {  	[tilespmem:s15], [sflag:$0x6] =	stream.indirect_vreg.gather [hbm4b:s5+s3], $0x80, v3, vm0, $0xb8;
	[tilespmem:$0x1D000] =	vst v63  }
0x1cd: {  	s15 =	simm.s32 $0x1B000  }
0x1ce: {  	[tilespmem:s15], [sflag:$0x6] =	stream.indirect_vreg.gather [hbm4b:s6+s3], $0x80, v3, vm0, $0xb8;
	[tilespmem:$0x1D000] =	vst v63  }
0x1cf: {  	_ =	swait.ge [sflag:s0], $0x4800  }
0x1d0: {  	[sflag:s0] =	ssyncset.done $0x0  }
0x1d1: {  	s4 =	simm.s32 $0x800;
	s15 =	rddreg [dreg:$0xa];
	[sflag:s0] =	ssyncadd.s32 $0xFFFFB800  }
0x1d2: {  	[hbm4b:s15+s3] =	stream.linear.scatter [tilespmem:s4], [sflag:$0x8], $0x4800, $0x38;
	[tilespmem:$0x1D000] =	vst v63  }
0x1d3: {  	v3 =	vld.msk @!p0 [tilespmem:$0x600], $0xff;
	_ =	sdelay $0x4  }
0x1d4: {  	v4 =	vshrl.u32 @!p0 v3, $0x3  }
0x1d5: {  	v4 =	vmul.u32 @!p0 $0x30, v4  }
0x1d6: {  	v5 =	vlaneseq.u32 @!p0;
	v3 =	vand.u32 @!p0 $0x7, v3  }
0x1d7: {  	v3 =	vor.u32 @!p0 v3, v4;
	v4 =	vand.u32 @!p0 $0x7, v5;
	v5 =	vshrl.u32 @!p0 v5, $0x3  }
0x1d8: {  	v3 =	vperm.xlane @!p0 v3, v4;
	v4 =	vmul.u32 @!p0 $0x8, v5;
	_ =	sdelay $0x1  }
0x1d9: {  	v3 =	vadd.s32 @!p0 v4, v3;
	_ =	sdelay $0x3  }
0x1da: {  	s14 =	simm.s32 @!p0 $0x0;
	s15 =	simm.s32 @!p0 $0x1B800  }
0x1db: {  	[tilespmem:s15], [sflag:$0x7] =	stream.indirect_vreg.gather @!p0 [hbm4b:s1+s14], $0x80, v3, vm1, $0xb8;
	[tilespmem:$0x1D000] =	vst v63  }
0x1dc: {  	s4 =	simm.s32 @!p0 $0x1C000  }
0x1dd: {  	[tilespmem:s4], [sflag:$0x7] =	stream.indirect_vreg.gather @!p0 [hbm4b:s5+s14], $0x80, v3, vm1, $0xb8;
	[tilespmem:$0x1D000] =	vst v63  }
0x1de: {  	s4 =	simm.s32 @!p0 $0x1C800  }
0x1df: {  	[tilespmem:s4], [sflag:$0x7] =	stream.indirect_vreg.gather @!p0 [hbm4b:s6+s14], $0x80, v3, vm1, $0xb8;
	[tilespmem:$0x1D000] =	vst v63  }
0x1e0: {  	_ =	swait.ge [sflag:s9], $0x4800  }
0x1e1: {  	[sflag:s9] =	ssyncset.done $0x0  }
0x1e2: {  	s7 =	simm.s32 $0x5000;
	s0 =	rddreg [dreg:$0xb];
	[sflag:s9] =	ssyncadd.s32 $0xFFFFB800  }
0x1e3: {  	[hbm4b:s0+s3] =	stream.linear.scatter [tilespmem:s7], [sflag:$0x9], $0x4800, $0x38;
	[tilespmem:$0x1D000] =	vst v63  }
0x1e4: {  	_ =	swait.ge [sflag:s12], $0x4800  }
0x1e5: {  	[sflag:s12] =	ssyncset.done $0x0  }
0x1e6: {  	s23 =	simm.s32 $0x9800;
	s9 =	rddreg [dreg:$0xc];
	[sflag:s12] =	ssyncadd.s32 $0xFFFFB800  }
0x1e7: {  	[hbm4b:s9+s3] =	stream.linear.scatter [tilespmem:s23], [sflag:$0xA], $0x4800, $0x38;
	[tilespmem:$0x1D000] =	vst v63  }
0x1e8: {  	_ =	swait.ge [sflag:s16], $0x4800  }
0x1e9: {  	[sflag:s16] =	ssyncset.done $0x0  }
0x1ea: {  	s12 =	rddreg [dreg:$0xd];
	[sflag:s16] =	ssyncadd.s32 $0xFFFFB800  }
0x1eb: {  	[hbm4b:s12+s3] =	stream.linear.scatter [tilespmem:s18], [sflag:$0xB], $0x4800, $0x38;
	[tilespmem:$0x1D000] =	vst v63  }
0x1ec: {  	_ =	swait.ge [sflag:s19], $0x4800  }
0x1ed: {  	[sflag:s19] =	ssyncset.done $0x0  }
0x1ee: {  	s16 =	rddreg [dreg:$0xe];
	[sflag:s19] =	ssyncadd.s32 $0xFFFFB800  }
0x1ef: {  	[hbm4b:s16+s3] =	stream.linear.scatter [tilespmem:s11], [sflag:$0xC], $0x4800, $0x38;
	[tilespmem:$0x1D000] =	vst v63  }
0x1f0: {  	_ =	swait.ge [sflag:s21], $0x4800  }
0x1f1: {  	[sflag:s21] =	ssyncset.done $0x0  }
0x1f2: {  	s4 =	simm.s32 @!p0 $0x7;
	s23 =	rddreg [dreg:$0xf];
	[sflag:s21] =	ssyncadd.s32 $0xFFFFB800  }
0x1f3: {  	[hbm4b:s23+s3] =	stream.linear.scatter [tilespmem:s8], [sflag:$0xD], $0x4800, $0x38;
	[tilespmem:$0x1D000] =	vst v63  }
0x1f4: {  	_ =	swait.ge @!p0 [sflag:s4], $0x1800  }
0x1f5: {  	[sflag:s4] =	ssyncset.done @!p0 $0x0  }
0x1f6: {  	s16 =	rddreg [dreg:$0x10];
	[sflag:s4] =	ssyncadd.s32 @!p0 $0xFFFFE800;
	s4 =	simm.s32 @!p0 $0xE  }
0x1f7: {  	[hbm4b:s16+s14] =	stream.linear.scatter @!p0 [tilespmem:s15], [sflag:$0xE], $0x1800, $0x38;
	[tilespmem:$0x1D000] =	vst v63  }
0x1f8: {  	_ =	swait.ge @!p0 [sflag:s4], $0x1800  }
0x1f9: {  	[sflag:s4] =	ssyncset.done @!p0 $0x0  }
0x1fa: {  	[sflag:s4] =	ssyncadd.s32 @!p0 $0xFFFFE800  }
0x1fb: {  	_ =	swait.ge [sflag:s2], $0x4800  }
0x1fc: {  	[sflag:s2] =	ssyncset.done $0x0  }
0x1fd: {  	[sflag:s2] =	ssyncadd.s32 $0xFFFFB800  }
0x1fe: {  	_ =	swait.ge [sflag:s10], $0x4800  }
0x1ff: {  	[sflag:s10] =	ssyncset.done $0x0  }
0x200: {  	[sflag:s10] =	ssyncadd.s32 $0xFFFFB800  }
0x201: {  	_ =	swait.ge [sflag:s13], $0x4800  }
0x202: {  	[sflag:s13] =	ssyncset.done $0x0  }
0x203: {  	[sflag:s13] =	ssyncadd.s32 $0xFFFFB800  }
0x204: {  	_ =	swait.ge [sflag:s17], $0x4800  }
0x205: {  	[sflag:s17] =	ssyncset.done $0x0  }
0x206: {  	s28 =	sadd.s32 $0xFFFFFFFF, s28;
	[sflag:s17] =	ssyncadd.s32 $0xFFFFB800  }
0x207: {  	p1 =	sne.s32 s28, $0x0;
	_ =	swait.ge [sflag:s20], $0x4800  }
.Ltmp0:
0x208: {  	[sflag:s20] =	ssyncset.done $0x0;
	(pc) =	sbr.rel @p1 .LBB2_1-.Ltmp0, $4  }
0x209: {  	[sflag:s20] =	ssyncadd.s32 $0xFFFFB800  }
0x20a: {  	_ =	swait.ge [sflag:s22], $0x4800  }
0x20b: {  	[sflag:s22] =	ssyncset.done $0x0  }
0x20c: {  	[sflag:s22] =	ssyncadd.s32 $0xFFFFB800  }
0x20d: {  	_ =	sfence.sel $0x180000  }
0x20e: {  	[bflag:$0x0] =	sbarrier.arrive $0xFFFF  }
0x20f: {  	_ =	strace $0x90000047  }
0x210: {  	s0 =	stileid.u32;
	[bflag:$0x2] =	sbarrier.arrive $0xFFFF  }
0x211: {  	p0 =	sne.s32 s0, $0x0;
	s0 =	rddreg [dreg:$0x3]  }
0x212: {  	s0 =	sadd.s32 @!p0 $0x100000, s0  }
0x213: {  	[sflag:s0] =	ssyncadd.tile.s32 @!p0 $0x1;
	_ =	shalt  }
.Lfunc_end2:
_tile_overlayer_lowered:
.L_overlay_start_2:
0x214: {  	(tag) =	ssettag $0x2  }
0x215: {  	s0 =	rddreg [dreg:$0x0];
	s2 =	stileid.u32  }
0x216: {  	s1 =	rddreg [dreg:$0x1];
	p0 =	sne.s32 s2, $0x0  }
0x217: {  	s3 =	rddreg [dreg:$0x2];
	[bflag:$0x3] =	sbarrier.arrive $0xFFFF;
	s2 =	simm.s32 @!p0 $0x1C0E  }
0x218: {  	[timem:s3], [sflag:s2] =	dma.local @!p0 [hbm:s0], s1  }
0x219: {  	s0 =	simm.s32 @!p0 $0xE  }
0x21a: {  	_ =	swait.ge @!p0 [sflag:s0], s1  }
0x21b: {  	s1 =	ssub.s32 @!p0 $0x0, s1;
	[sflag:s0] =	ssyncset.done @!p0 $0x0  }
0x21c: {  	[sflag:s0] =	ssyncadd.s32 @!p0 s1  }
0x21d: {  	[bflag:$0x3] =	sbarrier.arrive $0xFFFF  }
0x21e: {  	_ =	shalt  }

</sc_bundles>
